<compile_context>
chip_gen: v7x
topology: tpu7x:2x2x1
jax: 0.10.2.dev20260603
libtpu: 0.0.44.dev20260713+nightly
codegen_flags: <defaults>
</compile_context>

<pallas_src>
import functools

import jax
import jax.numpy as jnp
from jax import lax
from jax.experimental import pallas as pl
from jax.experimental.pallas import tpu as pltpu
from jax.experimental.pallas import tpu_sc as plsc

_B = 4096
_H = 32
_W = 32
_LANES = 16
_IN_ROWS = _H * _W * _B // 128
_ROWS_PW = _IN_ROWS // 32
_CROWS = 64
_CHUNKS = _ROWS_PW // _CROWS


def _gate_body(ent_hbm, tf_hbm, tm_hbm, out_hbm,
               in0, in1, c0, m0, f0, c1, m1, f1,
               tf_v, tm_v, sin0, sin1, sout0, sout1):
    wid = lax.axis_index("s") * 2 + lax.axis_index("c")

    pltpu.sync_copy(tf_hbm, tf_v)
    pltpu.sync_copy(tm_hbm, tm_v)
    tf = tf_v[...]
    tm = tm_v[...]

    in_base = wid * _ROWS_PW
    out_base = wid * (3 * _ROWS_PW)

    bufs = ((in0, c0, m0, f0, sin0, sout0), (in1, c1, m1, f1, sin1, sout1))

    def start_in(g, p):
        ib, _, _, _, sin, _ = bufs[p]
        pltpu.async_copy(ent_hbm.at[pl.ds(in_base + g * _CROWS, _CROWS)],
                         ib, sin)

    def wait_in(p):
        ib, _, _, _, sin, _ = bufs[p]
        pltpu.make_async_copy(ent_hbm.at[pl.ds(0, _CROWS)], ib, sin).wait()

    def start_out(g, p):
        _, cb, mb, fb, _, sout = bufs[p]
        local = g * _CROWS
        for j, buf in enumerate((cb, mb, fb)):
            pltpu.async_copy(
                buf, out_hbm.at[pl.ds(out_base + j * _ROWS_PW + local, _CROWS)],
                sout)

    def wait_out(p):
        _, cb, mb, fb, _, sout = bufs[p]
        for buf in (cb, mb, fb):
            pltpu.make_async_copy(
                buf, out_hbm.at[pl.ds(out_base, _CROWS)], sout).wait()

    def compute(p):
        ib, cb, mb, fb, _, _ = bufs[p]

        @plsc.parallel_loop(0, _CROWS * (128 // _LANES), unroll=8)
        def _(k):
            r = k // (128 // _LANES)
            c = pl.multiple_of((k % (128 // _LANES)) * _LANES, _LANES)
            v = ib[r, pl.ds(c, _LANES)]
            ci = (v <= tm).astype(jnp.int32)
            fi = (v > tf).astype(jnp.int32)
            cb[r, pl.ds(c, _LANES)] = ci
            mb[r, pl.ds(c, _LANES)] = 1 - ci - fi
            fb[r, pl.ds(c, _LANES)] = fi

    start_in(0, 0)
    start_in(1, 1)

    def pair(i, carry):
        for p in range(2):
            g = 2 * i + p
            wait_in(p)

            @pl.when(i >= 1)
            def _():
                wait_out(p)

            compute(p)
            start_out(g, p)

            @pl.when(i < _CHUNKS // 2 - 1)
            def _():
                start_in(g + 2, p)

        return carry

    lax.fori_loop(0, _CHUNKS // 2, pair, jnp.int32(0))
    wait_out(0)
    wait_out(1)


def kernel(entropy, threshold_fine, threshold_median):
    e = jnp.transpose(entropy, (1, 2, 0))
    e = e.reshape(_H, _W // 8, 8, _B // 128, 128)
    e = jnp.transpose(e, (0, 1, 3, 2, 4))
    ent_lin = e.reshape(_IN_ROWS, 128)

    tf = jnp.full((_LANES,), threshold_fine, jnp.float32)
    tm = jnp.full((_LANES,), threshold_median, jnp.float32)

    mesh = plsc.VectorSubcoreMesh(core_axis_name="c", subcore_axis_name="s")
    run = functools.partial(
        pl.kernel,
        out_type=jax.ShapeDtypeStruct((3 * _IN_ROWS, 128), jnp.int32),
        mesh=mesh,
        compiler_params=pltpu.CompilerParams(needs_layout_passes=False),
        scratch_types=[
            pltpu.VMEM((_CROWS, 128), jnp.float32),
            pltpu.VMEM((_CROWS, 128), jnp.float32),
            pltpu.VMEM((_CROWS, 128), jnp.int32),
            pltpu.VMEM((_CROWS, 128), jnp.int32),
            pltpu.VMEM((_CROWS, 128), jnp.int32),
            pltpu.VMEM((_CROWS, 128), jnp.int32),
            pltpu.VMEM((_CROWS, 128), jnp.int32),
            pltpu.VMEM((_CROWS, 128), jnp.int32),
            pltpu.VMEM((_LANES,), jnp.float32),
            pltpu.VMEM((_LANES,), jnp.float32),
            pltpu.SemaphoreType.DMA,
            pltpu.SemaphoreType.DMA,
            pltpu.SemaphoreType.DMA,
            pltpu.SemaphoreType.DMA,
        ],
    )(_gate_body)
    out = run(ent_lin, tf, tm)

    o = out.reshape(_H, 3, _W // 8, _B // 128, 8, 128)
    o = jnp.transpose(o, (3, 5, 0, 2, 4, 1))
    return o.reshape(_B, _H, _W, 3)

# --- scband reference (transcript-rebuilt; emitter-appended) ---
"""Pipeline reference for scband-triple-grain-entropy-router-78572131713247 (READ-ONLY COPY).

The authoritative reference and input builder live on the scoring server;
editing this copy changes nothing except your own understanding.
"""

import jax, jax.numpy as jnp
import numpy as np


def setup_inputs(seed: int = 0) -> dict:
    key = jax.random.key(seed)
    k1, k2 = jax.random.split(key)
    entropy = jax.random.uniform(k1, (4096, 32, 32), dtype=jnp.float32)
    # Entropy thresholds (would normally be loaded from the JSON file passed to __init__).
    threshold_fine = jnp.float32(0.66)
    threshold_median = jnp.float32(0.33)
    return {"entropy": entropy, "threshold_fine": threshold_fine, "threshold_median": threshold_median}


def reference(entropy, threshold_fine, threshold_median):
    # Faithful translation of TripleGrainEntropyRouter._get_gate_from_threshold
    gate_fine = (entropy > threshold_fine).astype(jnp.int64)[..., None]
    gate_median = ((entropy <= threshold_fine) & (entropy > threshold_median)).astype(jnp.int64)[..., None]
    gate_coarse = (entropy <= threshold_median).astype(jnp.int64)[..., None]
    gate = jnp.concatenate([gate_coarse, gate_median, gate_fine], axis=-1)
    return gate

if __name__ == "__main__":
    import jax
    _d = setup_inputs()
    print(jax.jit(kernel)(*tuple(_d.values())))

</pallas_src>

<mosaic_0001>
#map = affine_map<(d0, d1) -> (0, 0)>
#map1 = affine_map<(d0, d1) -> (0)>
module attributes {stable_mosaic.version = 14 : i64} {
  func.func @_gate_body(%arg0: i32, %arg1: i32, %arg2: memref<32768x128xf32, #tpu.memory_space<hbm>>, %arg3: memref<16xf32, #tpu.memory_space<hbm>>, %arg4: memref<16xf32, #tpu.memory_space<hbm>>, %arg5: memref<98304x128xi32, #tpu.memory_space<hbm>>, %arg6: memref<64x128xf32, #tpu.memory_space<vmem>>, %arg7: memref<64x128xf32, #tpu.memory_space<vmem>>, %arg8: memref<64x128xi32, #tpu.memory_space<vmem>>, %arg9: memref<64x128xi32, #tpu.memory_space<vmem>>, %arg10: memref<64x128xi32, #tpu.memory_space<vmem>>, %arg11: memref<64x128xi32, #tpu.memory_space<vmem>>, %arg12: memref<64x128xi32, #tpu.memory_space<vmem>>, %arg13: memref<64x128xi32, #tpu.memory_space<vmem>>, %arg14: memref<16xf32, #tpu.memory_space<vmem>>, %arg15: memref<16xf32, #tpu.memory_space<vmem>>, %arg16: memref<!tpu.dma_semaphore, #tpu.memory_space<semaphore_mem>>, %arg17: memref<!tpu.dma_semaphore, #tpu.memory_space<semaphore_mem>>, %arg18: memref<!tpu.dma_semaphore, #tpu.memory_space<semaphore_mem>>, %arg19: memref<!tpu.dma_semaphore, #tpu.memory_space<semaphore_mem>>) attributes {dimension_semantics = [#tpu.dimension_semantics<core_parallel>, #tpu.dimension_semantics<subcore_parallel>], iteration_bounds = array<i64: 2, 16>, scalar_prefetch = 0 : i64, scratch_operands = 14 : i64, tpu.core_type = #tpu.core_type<sc_vector_subcore>, window_params = [{transform_indices = #map}, {transform_indices = #map1}, {transform_indices = #map1}, {transform_indices = #map}]} {
    %mul3A = arith.constant 2 : i32
    %mul3A_0 = arith.muli %arg1, %mul3A : i32
    %add3A = arith.addi %mul3A_0, %arg0 : i32
    "tpu.region"() ({
      %run_scoped3A = tpu.sem_alloc : memref<!tpu.dma_semaphore, #tpu.memory_space<semaphore_mem>>
      tpu.enqueue_dma source(%arg3 : memref<16xf32, #tpu.memory_space<hbm>>) target(%arg14 : memref<16xf32, #tpu.memory_space<vmem>>) target_semaphore(%run_scoped3A : memref<!tpu.dma_semaphore, #tpu.memory_space<semaphore_mem>>)
      tpu.wait_dma2 semaphore(%run_scoped3A : memref<!tpu.dma_semaphore, #tpu.memory_space<semaphore_mem>>) src(%arg3 : memref<16xf32, #tpu.memory_space<hbm>>) dst(%arg14 : memref<16xf32, #tpu.memory_space<vmem>>)
      tpu.yield
    }) : () -> ()
    "tpu.region"() ({
      %run_scoped3A = tpu.sem_alloc : memref<!tpu.dma_semaphore, #tpu.memory_space<semaphore_mem>>
      tpu.enqueue_dma source(%arg4 : memref<16xf32, #tpu.memory_space<hbm>>) target(%arg15 : memref<16xf32, #tpu.memory_space<vmem>>) target_semaphore(%run_scoped3A : memref<!tpu.dma_semaphore, #tpu.memory_space<semaphore_mem>>)
      tpu.wait_dma2 semaphore(%run_scoped3A : memref<!tpu.dma_semaphore, #tpu.memory_space<semaphore_mem>>) src(%arg4 : memref<16xf32, #tpu.memory_space<hbm>>) dst(%arg15 : memref<16xf32, #tpu.memory_space<vmem>>)
      tpu.yield
    }) : () -> ()
    %get3A = arith.constant 0 : index
    %get3A_1 = tpu.vector_load %arg14[%get3A] {strides = array<i32>} : memref<16xf32, #tpu.memory_space<vmem>>, vector<16xf32>,
    %get3A_2 = arith.constant 0 : index
    %get3A_3 = tpu.vector_load %arg15[%get3A_2] {strides = array<i32>} : memref<16xf32, #tpu.memory_space<vmem>>, vector<16xf32>,
    %mul3A_4 = arith.constant 1024 : i32
    %mul3A_5 = arith.muli %add3A, %mul3A_4 : i32
    %mul3A_6 = arith.constant 3072 : i32
    %mul3A_7 = arith.muli %add3A, %mul3A_6 : i32
    %add3A_8 = arith.constant 0 : i32
    %add3A_9 = arith.addi %mul3A_5, %add3A_8 : i32
    %dma_start3A = arith.constant 0 : i32
    %dma_start3A_10 = tpu.memref_slice %arg2[%add3A_9, %dma_start3A] : memref<32768x128xf32, #tpu.memory_space<hbm>> -> memref<64x128xf32, #tpu.memory_space<hbm>>
    %dma_start3A_11 = arith.constant 0 : i32
    %dma_start3A_12 = tpu.memref_slice %arg2[%add3A_9, %dma_start3A_11] : memref<32768x128xf32, #tpu.memory_space<hbm>> -> memref<64x128xf32, #tpu.memory_space<hbm>>
    tpu.enqueue_dma source(%dma_start3A_12 : memref<64x128xf32, #tpu.memory_space<hbm>>) target(%arg6 : memref<64x128xf32, #tpu.memory_space<vmem>>) target_semaphore(%arg16 : memref<!tpu.dma_semaphore, #tpu.memory_space<semaphore_mem>>)
    %add3A_13 = arith.constant 64 : i32
    %add3A_14 = arith.addi %mul3A_5, %add3A_13 : i32
    %dma_start3A_15 = arith.constant 0 : i32
    %dma_start3A_16 = tpu.memref_slice %arg2[%add3A_14, %dma_start3A_15] : memref<32768x128xf32, #tpu.memory_space<hbm>> -> memref<64x128xf32, #tpu.memory_space<hbm>>
    %dma_start3A_17 = arith.constant 0 : i32
    %dma_start3A_18 = tpu.memref_slice %arg2[%add3A_14, %dma_start3A_17] : memref<32768x128xf32, #tpu.memory_space<hbm>> -> memref<64x128xf32, #tpu.memory_space<hbm>>
    tpu.enqueue_dma source(%dma_start3A_18 : memref<64x128xf32, #tpu.memory_space<hbm>>) target(%arg7 : memref<64x128xf32, #tpu.memory_space<vmem>>) target_semaphore(%arg17 : memref<!tpu.dma_semaphore, #tpu.memory_space<semaphore_mem>>)
    %scan3A = arith.constant 0 : i32
    %scan3A_19 = arith.constant 0 : i32
    %scan3A_20 = arith.constant 8 : i32
    %scan3A_21 = arith.addi %scan3A_19, %scan3A_20 : i32
    %scan3A_22 = arith.constant 1 : i32
    scf.for %scan3A_47 = %scan3A_19 to %scan3A_21 step %scan3A_22  : i32 {
      %mul3A_48 = arith.constant 2 : i32
      %mul3A_49 = arith.muli %mul3A_48, %scan3A_47 : i32
      %add3A_50 = arith.constant 0 : i32
      %add3A_51 = arith.addi %mul3A_49, %add3A_50 : i32
      %dma_wait3A_52 = arith.constant 0 : i32
      %dma_wait3A_53 = arith.constant 0 : i32
      %dma_wait3A_54 = tpu.memref_slice %arg2[%dma_wait3A_52, %dma_wait3A_53] : memref<32768x128xf32, #tpu.memory_space<hbm>> -> memref<64x128xf32, #tpu.memory_space<hbm>>
      %dma_wait3A_55 = arith.constant 0 : i32
      %dma_wait3A_56 = arith.constant 0 : i32
      %dma_wait3A_57 = tpu.memref_slice %arg2[%dma_wait3A_55, %dma_wait3A_56] : memref<32768x128xf32, #tpu.memory_space<hbm>> -> memref<64x128xf32, #tpu.memory_space<hbm>>
      tpu.wait_dma2 semaphore(%arg16 : memref<!tpu.dma_semaphore, #tpu.memory_space<semaphore_mem>>) src(%dma_wait3A_57 : memref<64x128xf32, #tpu.memory_space<hbm>>) dst(%arg6 : memref<64x128xf32, #tpu.memory_space<vmem>>)
      %ge3A = arith.constant 1 : i32
      %ge3A_58 = arith.cmpi sge, %scan3A_47, %ge3A : i32
      %convert_element_type3A = arith.extui %ge3A_58 : i1 to i32
      %cond3A = arith.constant 0 : i32
      %cond3A_59 = arith.cmpi ne, %convert_element_type3A, %cond3A : i32
      scf.if %cond3A_59 {
        %dma_wait3A_135 = arith.constant 0 : i32
        %dma_wait3A_136 = tpu.memref_slice %arg5[%mul3A_7, %dma_wait3A_135] : memref<98304x128xi32, #tpu.memory_space<hbm>> -> memref<64x128xi32, #tpu.memory_space<hbm>>
        %dma_wait3A_137 = arith.constant 0 : i32
        %dma_wait3A_138 = tpu.memref_slice %arg5[%mul3A_7, %dma_wait3A_137] : memref<98304x128xi32, #tpu.memory_space<hbm>> -> memref<64x128xi32, #tpu.memory_space<hbm>>
        tpu.wait_dma2 semaphore(%arg18 : memref<!tpu.dma_semaphore, #tpu.memory_space<semaphore_mem>>) src(%arg8 : memref<64x128xi32, #tpu.memory_space<vmem>>) dst(%dma_wait3A_138 : memref<64x128xi32, #tpu.memory_space<hbm>>)
        %dma_wait3A_139 = arith.constant 0 : i32
        %dma_wait3A_140 = tpu.memref_slice %arg5[%mul3A_7, %dma_wait3A_139] : memref<98304x128xi32, #tpu.memory_space<hbm>> -> memref<64x128xi32, #tpu.memory_space<hbm>>
        %dma_wait3A_141 = arith.constant 0 : i32
        %dma_wait3A_142 = tpu.memref_slice %arg5[%mul3A_7, %dma_wait3A_141] : memref<98304x128xi32, #tpu.memory_space<hbm>> -> memref<64x128xi32, #tpu.memory_space<hbm>>
        tpu.wait_dma2 semaphore(%arg18 : memref<!tpu.dma_semaphore, #tpu.memory_space<semaphore_mem>>) src(%arg9 : memref<64x128xi32, #tpu.memory_space<vmem>>) dst(%dma_wait3A_142 : memref<64x128xi32, #tpu.memory_space<hbm>>)
        %dma_wait3A_143 = arith.constant 0 : i32
        %dma_wait3A_144 = tpu.memref_slice %arg5[%mul3A_7, %dma_wait3A_143] : memref<98304x128xi32, #tpu.memory_space<hbm>> -> memref<64x128xi32, #tpu.memory_space<hbm>>
        %dma_wait3A_145 = arith.constant 0 : i32
        %dma_wait3A_146 = tpu.memref_slice %arg5[%mul3A_7, %dma_wait3A_145] : memref<98304x128xi32, #tpu.memory_space<hbm>> -> memref<64x128xi32, #tpu.memory_space<hbm>>
        tpu.wait_dma2 semaphore(%arg18 : memref<!tpu.dma_semaphore, #tpu.memory_space<semaphore_mem>>) src(%arg10 : memref<64x128xi32, #tpu.memory_space<vmem>>) dst(%dma_wait3A_146 : memref<64x128xi32, #tpu.memory_space<hbm>>)
      } else {
      }
      %parallel_loop3A = arith.constant 0 : i32
      %parallel_loop3A_60 = arith.constant 512 : i32
      %parallel_loop3A_61 = arith.constant 1 : i32
      scf.for %parallel_loop3A_135 = %parallel_loop3A to %parallel_loop3A_60 step %parallel_loop3A_61  : i32 {
        %parallel_loop3A_136 = arith.constant 8 : i32
        %parallel_loop3A_137 = arith.divsi %parallel_loop3A_135, %parallel_loop3A_136 : i32
        %parallel_loop3A_138 = arith.constant 0 : i32
        %parallel_loop3A_139 = arith.cmpi sgt, %parallel_loop3A_135, %parallel_loop3A_138 : i32
        %parallel_loop3A_140 = arith.extui %parallel_loop3A_139 : i1 to i32
        %parallel_loop3A_141 = arith.constant 0 : i32
        %parallel_loop3A_142 = arith.cmpi slt, %parallel_loop3A_135, %parallel_loop3A_141 : i32
        %parallel_loop3A_143 = arith.extui %parallel_loop3A_142 : i1 to i32
        %parallel_loop3A_144 = arith.subi %parallel_loop3A_140, %parallel_loop3A_143 : i32
        %parallel_loop3A_145 = arith.constant 0 : i32
        %parallel_loop3A_146 = arith.cmpi sgt, %parallel_loop3A_136, %parallel_loop3A_145 : i32
        %parallel_loop3A_147 = arith.extui %parallel_loop3A_146 : i1 to i32
        %parallel_loop3A_148 = arith.constant 0 : i32
        %parallel_loop3A_149 = arith.cmpi slt, %parallel_loop3A_136, %parallel_loop3A_148 : i32
        %parallel_loop3A_150 = arith.extui %parallel_loop3A_149 : i1 to i32
        %parallel_loop3A_151 = arith.subi %parallel_loop3A_147, %parallel_loop3A_150 : i32
        %parallel_loop3A_152 = arith.cmpi ne, %parallel_loop3A_144, %parallel_loop3A_151 : i32
        %parallel_loop3A_153 = arith.remsi %parallel_loop3A_135, %parallel_loop3A_136 : i32
        %parallel_loop3A_154 = arith.constant 0 : i32
        %parallel_loop3A_155 = arith.cmpi ne, %parallel_loop3A_153, %parallel_loop3A_154 : i32
        %parallel_loop3A_156 = arith.andi %parallel_loop3A_152, %parallel_loop3A_155 : i1
        %parallel_loop3A_157 = arith.constant 1 : i32
        %parallel_loop3A_158 = arith.subi %parallel_loop3A_137, %parallel_loop3A_157 : i32
        %parallel_loop3A_159 = arith.select %parallel_loop3A_156, %parallel_loop3A_158, %parallel_loop3A_137 : i32
        %parallel_loop3A_160 = arith.constant 8 : i32
        %parallel_loop3A_161 = arith.constant 0 : i32
        %parallel_loop3A_162 = arith.cmpi eq, %parallel_loop3A_160, %parallel_loop3A_161 : i32
        %parallel_loop3A_163 = arith.constant 1 : i32
        %parallel_loop3A_164 = arith.select %parallel_loop3A_162, %parallel_loop3A_163, %parallel_loop3A_160 : i32
        %parallel_loop3A_165 = arith.remsi %parallel_loop3A_135, %parallel_loop3A_164 : i32
        %parallel_loop3A_166 = arith.constant 0 : i32
        %parallel_loop3A_167 = arith.cmpi ne, %parallel_loop3A_165, %parallel_loop3A_166 : i32
        %parallel_loop3A_168 = arith.constant 0 : i32
        %parallel_loop3A_169 = arith.cmpi slt, %parallel_loop3A_165, %parallel_loop3A_168 : i32
        %parallel_loop3A_170 = arith.constant 0 : i32
        %parallel_loop3A_171 = arith.cmpi slt, %parallel_loop3A_164, %parallel_loop3A_170 : i32
        %parallel_loop3A_172 = arith.xori %parallel_loop3A_169, %parallel_loop3A_171 : i1
        %parallel_loop3A_173 = arith.andi %parallel_loop3A_172, %parallel_loop3A_167 : i1
        %parallel_loop3A_174 = arith.addi %parallel_loop3A_165, %parallel_loop3A_164 : i32
        %parallel_loop3A_175 = arith.select %parallel_loop3A_173, %parallel_loop3A_174, %parallel_loop3A_165 : i32
        %parallel_loop3A_176 = arith.constant 16 : i32
        %parallel_loop3A_177 = arith.muli %parallel_loop3A_175, %parallel_loop3A_176 : i32
        %parallel_loop3A_178 = tpu.assume_multiple %parallel_loop3A_177, 16 : i32
        %parallel_loop3A_179 = arith.index_cast %parallel_loop3A_159 : i32 to index
        %parallel_loop3A_180 = arith.index_cast %parallel_loop3A_178 : i32 to index
        %parallel_loop3A_181 = tpu.vector_load %arg6[%parallel_loop3A_179, %parallel_loop3A_180] {strides = array<i32>} : memref<64x128xf32, #tpu.memory_space<vmem>>, vector<16xf32>,
        %parallel_loop3A_182 = arith.cmpf ole, %parallel_loop3A_181, %get3A_3 : vector<16xf32>
        %parallel_loop3A_183 = arith.extui %parallel_loop3A_182 : vector<16xi1> to vector<16xi32>
        %parallel_loop3A_184 = arith.cmpf ogt, %parallel_loop3A_181, %get3A_1 : vector<16xf32>
        %parallel_loop3A_185 = arith.extui %parallel_loop3A_184 : vector<16xi1> to vector<16xi32>
        %parallel_loop3A_186 = arith.index_cast %parallel_loop3A_159 : i32 to index
        %parallel_loop3A_187 = arith.index_cast %parallel_loop3A_178 : i32 to index
        %parallel_loop3A_188 = tpu.vector_load %arg8[%parallel_loop3A_186, %parallel_loop3A_187] {strides = array<i32>} : memref<64x128xi32, #tpu.memory_space<vmem>>, vector<16xi32>,
        tpu.vector_store %arg8[%parallel_loop3A_186, %parallel_loop3A_187], %parallel_loop3A_183 {strides = array<i32>} : memref<64x128xi32, #tpu.memory_space<vmem>>, vector<16xi32>,
        %parallel_loop3A_189 = arith.constant 1 : i32
        %parallel_loop3A_190 = vector.broadcast %parallel_loop3A_189 : i32 to vector<16xi32>
        %parallel_loop3A_191 = arith.subi %parallel_loop3A_190, %parallel_loop3A_183 : vector<16xi32>
        %parallel_loop3A_192 = arith.subi %parallel_loop3A_191, %parallel_loop3A_185 : vector<16xi32>
        %parallel_loop3A_193 = arith.index_cast %parallel_loop3A_159 : i32 to index
        %parallel_loop3A_194 = arith.index_cast %parallel_loop3A_178 : i32 to index
        %parallel_loop3A_195 = tpu.vector_load %arg9[%parallel_loop3A_193, %parallel_loop3A_194] {strides = array<i32>} : memref<64x128xi32, #tpu.memory_space<vmem>>, vector<16xi32>,
        tpu.vector_store %arg9[%parallel_loop3A_193, %parallel_loop3A_194], %parallel_loop3A_192 {strides = array<i32>} : memref<64x128xi32, #tpu.memory_space<vmem>>, vector<16xi32>,
        %parallel_loop3A_196 = arith.index_cast %parallel_loop3A_159 : i32 to index
        %parallel_loop3A_197 = arith.index_cast %parallel_loop3A_178 : i32 to index
        %parallel_loop3A_198 = tpu.vector_load %arg10[%parallel_loop3A_196, %parallel_loop3A_197] {strides = array<i32>} : memref<64x128xi32, #tpu.memory_space<vmem>>, vector<16xi32>,
        tpu.vector_store %arg10[%parallel_loop3A_196, %parallel_loop3A_197], %parallel_loop3A_185 {strides = array<i32>} : memref<64x128xi32, #tpu.memory_space<vmem>>, vector<16xi32>,
      } {sc.loop_unroll_factor = 8 : i64, sc.parallel_access}
      %mul3A_62 = arith.constant 64 : i32
      %mul3A_63 = arith.muli %add3A_51, %mul3A_62 : i32
      %add3A_64 = arith.constant 0 : i32
      %add3A_65 = arith.addi %mul3A_7, %add3A_64 : i32
      %add3A_66 = arith.addi %add3A_65, %mul3A_63 : i32
      %dma_start3A_67 = arith.constant 0 : i32
      %dma_start3A_68 = tpu.memref_slice %arg5[%add3A_66, %dma_start3A_67] : memref<98304x128xi32, #tpu.memory_space<hbm>> -> memref<64x128xi32, #tpu.memory_space<hbm>>
      %dma_start3A_69 = arith.constant 0 : i32
      %dma_start3A_70 = tpu.memref_slice %arg5[%add3A_66, %dma_start3A_69] : memref<98304x128xi32, #tpu.memory_space<hbm>> -> memref<64x128xi32, #tpu.memory_space<hbm>>
      tpu.enqueue_dma source(%arg8 : memref<64x128xi32, #tpu.memory_space<vmem>>) target(%dma_start3A_70 : memref<64x128xi32, #tpu.memory_space<hbm>>) target_semaphore(%arg18 : memref<!tpu.dma_semaphore, #tpu.memory_space<semaphore_mem>>)
      %add3A_71 = arith.constant 1024 : i32
      %add3A_72 = arith.addi %mul3A_7, %add3A_71 : i32
      %add3A_73 = arith.addi %add3A_72, %mul3A_63 : i32
      %dma_start3A_74 = arith.constant 0 : i32
      %dma_start3A_75 = tpu.memref_slice %arg5[%add3A_73, %dma_start3A_74] : memref<98304x128xi32, #tpu.memory_space<hbm>> -> memref<64x128xi32, #tpu.memory_space<hbm>>
      %dma_start3A_76 = arith.constant 0 : i32
      %dma_start3A_77 = tpu.memref_slice %arg5[%add3A_73, %dma_start3A_76] : memref<98304x128xi32, #tpu.memory_space<hbm>> -> memref<64x128xi32, #tpu.memory_space<hbm>>
      tpu.enqueue_dma source(%arg9 : memref<64x128xi32, #tpu.memory_space<vmem>>) target(%dma_start3A_77 : memref<64x128xi32, #tpu.memory_space<hbm>>) target_semaphore(%arg18 : memref<!tpu.dma_semaphore, #tpu.memory_space<semaphore_mem>>)
      %add3A_78 = arith.constant 2048 : i32
      %add3A_79 = arith.addi %mul3A_7, %add3A_78 : i32
      %add3A_80 = arith.addi %add3A_79, %mul3A_63 : i32
      %dma_start3A_81 = arith.constant 0 : i32
      %dma_start3A_82 = tpu.memref_slice %arg5[%add3A_80, %dma_start3A_81] : memref<98304x128xi32, #tpu.memory_space<hbm>> -> memref<64x128xi32, #tpu.memory_space<hbm>>
      %dma_start3A_83 = arith.constant 0 : i32
      %dma_start3A_84 = tpu.memref_slice %arg5[%add3A_80, %dma_start3A_83] : memref<98304x128xi32, #tpu.memory_space<hbm>> -> memref<64x128xi32, #tpu.memory_space<hbm>>
      tpu.enqueue_dma source(%arg10 : memref<64x128xi32, #tpu.memory_space<vmem>>) target(%dma_start3A_84 : memref<64x128xi32, #tpu.memory_space<hbm>>) target_semaphore(%arg18 : memref<!tpu.dma_semaphore, #tpu.memory_space<semaphore_mem>>)
      %lt3A = arith.constant 7 : i32
      %lt3A_85 = arith.cmpi slt, %scan3A_47, %lt3A : i32
      %convert_element_type3A_86 = arith.extui %lt3A_85 : i1 to i32
      %cond3A_87 = arith.constant 0 : i32
      %cond3A_88 = arith.cmpi ne, %convert_element_type3A_86, %cond3A_87 : i32
      scf.if %cond3A_88 {
        %add3A_135 = arith.constant 2 : i32
        %add3A_136 = arith.addi %add3A_51, %add3A_135 : i32
        %mul3A_137 = arith.constant 64 : i32
        %mul3A_138 = arith.muli %add3A_136, %mul3A_137 : i32
        %add3A_139 = arith.addi %mul3A_5, %mul3A_138 : i32
        %dma_start3A_140 = arith.constant 0 : i32
        %dma_start3A_141 = tpu.memref_slice %arg2[%add3A_139, %dma_start3A_140] : memref<32768x128xf32, #tpu.memory_space<hbm>> -> memref<64x128xf32, #tpu.memory_space<hbm>>
        %dma_start3A_142 = arith.constant 0 : i32
        %dma_start3A_143 = tpu.memref_slice %arg2[%add3A_139, %dma_start3A_142] : memref<32768x128xf32, #tpu.memory_space<hbm>> -> memref<64x128xf32, #tpu.memory_space<hbm>>
        tpu.enqueue_dma source(%dma_start3A_143 : memref<64x128xf32, #tpu.memory_space<hbm>>) target(%arg6 : memref<64x128xf32, #tpu.memory_space<vmem>>) target_semaphore(%arg16 : memref<!tpu.dma_semaphore, #tpu.memory_space<semaphore_mem>>)
      } else {
      }
      %mul3A_89 = arith.constant 2 : i32
      %mul3A_90 = arith.muli %mul3A_89, %scan3A_47 : i32
      %add3A_91 = arith.constant 1 : i32
      %add3A_92 = arith.addi %mul3A_90, %add3A_91 : i32
      %dma_wait3A_93 = arith.constant 0 : i32
      %dma_wait3A_94 = arith.constant 0 : i32
      %dma_wait3A_95 = tpu.memref_slice %arg2[%dma_wait3A_93, %dma_wait3A_94] : memref<32768x128xf32, #tpu.memory_space<hbm>> -> memref<64x128xf32, #tpu.memory_space<hbm>>
      %dma_wait3A_96 = arith.constant 0 : i32
      %dma_wait3A_97 = arith.constant 0 : i32
      %dma_wait3A_98 = tpu.memref_slice %arg2[%dma_wait3A_96, %dma_wait3A_97] : memref<32768x128xf32, #tpu.memory_space<hbm>> -> memref<64x128xf32, #tpu.memory_space<hbm>>
      tpu.wait_dma2 semaphore(%arg17 : memref<!tpu.dma_semaphore, #tpu.memory_space<semaphore_mem>>) src(%dma_wait3A_98 : memref<64x128xf32, #tpu.memory_space<hbm>>) dst(%arg7 : memref<64x128xf32, #tpu.memory_space<vmem>>)
      %ge3A_99 = arith.constant 1 : i32
      %ge3A_100 = arith.cmpi sge, %scan3A_47, %ge3A_99 : i32
      %convert_element_type3A_101 = arith.extui %ge3A_100 : i1 to i32
      %cond3A_102 = arith.constant 0 : i32
      %cond3A_103 = arith.cmpi ne, %convert_element_type3A_101, %cond3A_102 : i32
      scf.if %cond3A_103 {
        %dma_wait3A_135 = arith.constant 0 : i32
        %dma_wait3A_136 = tpu.memref_slice %arg5[%mul3A_7, %dma_wait3A_135] : memref<98304x128xi32, #tpu.memory_space<hbm>> -> memref<64x128xi32, #tpu.memory_space<hbm>>
        %dma_wait3A_137 = arith.constant 0 : i32
        %dma_wait3A_138 = tpu.memref_slice %arg5[%mul3A_7, %dma_wait3A_137] : memref<98304x128xi32, #tpu.memory_space<hbm>> -> memref<64x128xi32, #tpu.memory_space<hbm>>
        tpu.wait_dma2 semaphore(%arg19 : memref<!tpu.dma_semaphore, #tpu.memory_space<semaphore_mem>>) src(%arg11 : memref<64x128xi32, #tpu.memory_space<vmem>>) dst(%dma_wait3A_138 : memref<64x128xi32, #tpu.memory_space<hbm>>)
        %dma_wait3A_139 = arith.constant 0 : i32
        %dma_wait3A_140 = tpu.memref_slice %arg5[%mul3A_7, %dma_wait3A_139] : memref<98304x128xi32, #tpu.memory_space<hbm>> -> memref<64x128xi32, #tpu.memory_space<hbm>>
        %dma_wait3A_141 = arith.constant 0 : i32
        %dma_wait3A_142 = tpu.memref_slice %arg5[%mul3A_7, %dma_wait3A_141] : memref<98304x128xi32, #tpu.memory_space<hbm>> -> memref<64x128xi32, #tpu.memory_space<hbm>>
        tpu.wait_dma2 semaphore(%arg19 : memref<!tpu.dma_semaphore, #tpu.memory_space<semaphore_mem>>) src(%arg12 : memref<64x128xi32, #tpu.memory_space<vmem>>) dst(%dma_wait3A_142 : memref<64x128xi32, #tpu.memory_space<hbm>>)
        %dma_wait3A_143 = arith.constant 0 : i32
        %dma_wait3A_144 = tpu.memref_slice %arg5[%mul3A_7, %dma_wait3A_143] : memref<98304x128xi32, #tpu.memory_space<hbm>> -> memref<64x128xi32, #tpu.memory_space<hbm>>
        %dma_wait3A_145 = arith.constant 0 : i32
        %dma_wait3A_146 = tpu.memref_slice %arg5[%mul3A_7, %dma_wait3A_145] : memref<98304x128xi32, #tpu.memory_space<hbm>> -> memref<64x128xi32, #tpu.memory_space<hbm>>
        tpu.wait_dma2 semaphore(%arg19 : memref<!tpu.dma_semaphore, #tpu.memory_space<semaphore_mem>>) src(%arg13 : memref<64x128xi32, #tpu.memory_space<vmem>>) dst(%dma_wait3A_146 : memref<64x128xi32, #tpu.memory_space<hbm>>)
      } else {
      }
      %parallel_loop3A_104 = arith.constant 0 : i32
      %parallel_loop3A_105 = arith.constant 512 : i32
      %parallel_loop3A_106 = arith.constant 1 : i32
      scf.for %parallel_loop3A_135 = %parallel_loop3A_104 to %parallel_loop3A_105 step %parallel_loop3A_106  : i32 {
        %parallel_loop3A_136 = arith.constant 8 : i32
        %parallel_loop3A_137 = arith.divsi %parallel_loop3A_135, %parallel_loop3A_136 : i32
        %parallel_loop3A_138 = arith.constant 0 : i32
        %parallel_loop3A_139 = arith.cmpi sgt, %parallel_loop3A_135, %parallel_loop3A_138 : i32
        %parallel_loop3A_140 = arith.extui %parallel_loop3A_139 : i1 to i32
        %parallel_loop3A_141 = arith.constant 0 : i32
        %parallel_loop3A_142 = arith.cmpi slt, %parallel_loop3A_135, %parallel_loop3A_141 : i32
        %parallel_loop3A_143 = arith.extui %parallel_loop3A_142 : i1 to i32
        %parallel_loop3A_144 = arith.subi %parallel_loop3A_140, %parallel_loop3A_143 : i32
        %parallel_loop3A_145 = arith.constant 0 : i32
        %parallel_loop3A_146 = arith.cmpi sgt, %parallel_loop3A_136, %parallel_loop3A_145 : i32
        %parallel_loop3A_147 = arith.extui %parallel_loop3A_146 : i1 to i32
        %parallel_loop3A_148 = arith.constant 0 : i32
        %parallel_loop3A_149 = arith.cmpi slt, %parallel_loop3A_136, %parallel_loop3A_148 : i32
        %parallel_loop3A_150 = arith.extui %parallel_loop3A_149 : i1 to i32
        %parallel_loop3A_151 = arith.subi %parallel_loop3A_147, %parallel_loop3A_150 : i32
        %parallel_loop3A_152 = arith.cmpi ne, %parallel_loop3A_144, %parallel_loop3A_151 : i32
        %parallel_loop3A_153 = arith.remsi %parallel_loop3A_135, %parallel_loop3A_136 : i32
        %parallel_loop3A_154 = arith.constant 0 : i32
        %parallel_loop3A_155 = arith.cmpi ne, %parallel_loop3A_153, %parallel_loop3A_154 : i32
        %parallel_loop3A_156 = arith.andi %parallel_loop3A_152, %parallel_loop3A_155 : i1
        %parallel_loop3A_157 = arith.constant 1 : i32
        %parallel_loop3A_158 = arith.subi %parallel_loop3A_137, %parallel_loop3A_157 : i32
        %parallel_loop3A_159 = arith.select %parallel_loop3A_156, %parallel_loop3A_158, %parallel_loop3A_137 : i32
        %parallel_loop3A_160 = arith.constant 8 : i32
        %parallel_loop3A_161 = arith.constant 0 : i32
        %parallel_loop3A_162 = arith.cmpi eq, %parallel_loop3A_160, %parallel_loop3A_161 : i32
        %parallel_loop3A_163 = arith.constant 1 : i32
        %parallel_loop3A_164 = arith.select %parallel_loop3A_162, %parallel_loop3A_163, %parallel_loop3A_160 : i32
        %parallel_loop3A_165 = arith.remsi %parallel_loop3A_135, %parallel_loop3A_164 : i32
        %parallel_loop3A_166 = arith.constant 0 : i32
        %parallel_loop3A_167 = arith.cmpi ne, %parallel_loop3A_165, %parallel_loop3A_166 : i32
        %parallel_loop3A_168 = arith.constant 0 : i32
        %parallel_loop3A_169 = arith.cmpi slt, %parallel_loop3A_165, %parallel_loop3A_168 : i32
        %parallel_loop3A_170 = arith.constant 0 : i32
        %parallel_loop3A_171 = arith.cmpi slt, %parallel_loop3A_164, %parallel_loop3A_170 : i32
        %parallel_loop3A_172 = arith.xori %parallel_loop3A_169, %parallel_loop3A_171 : i1
        %parallel_loop3A_173 = arith.andi %parallel_loop3A_172, %parallel_loop3A_167 : i1
        %parallel_loop3A_174 = arith.addi %parallel_loop3A_165, %parallel_loop3A_164 : i32
        %parallel_loop3A_175 = arith.select %parallel_loop3A_173, %parallel_loop3A_174, %parallel_loop3A_165 : i32
        %parallel_loop3A_176 = arith.constant 16 : i32
        %parallel_loop3A_177 = arith.muli %parallel_loop3A_175, %parallel_loop3A_176 : i32
        %parallel_loop3A_178 = tpu.assume_multiple %parallel_loop3A_177, 16 : i32
        %parallel_loop3A_179 = arith.index_cast %parallel_loop3A_159 : i32 to index
        %parallel_loop3A_180 = arith.index_cast %parallel_loop3A_178 : i32 to index
        %parallel_loop3A_181 = tpu.vector_load %arg7[%parallel_loop3A_179, %parallel_loop3A_180] {strides = array<i32>} : memref<64x128xf32, #tpu.memory_space<vmem>>, vector<16xf32>,
        %parallel_loop3A_182 = arith.cmpf ole, %parallel_loop3A_181, %get3A_3 : vector<16xf32>
        %parallel_loop3A_183 = arith.extui %parallel_loop3A_182 : vector<16xi1> to vector<16xi32>
        %parallel_loop3A_184 = arith.cmpf ogt, %parallel_loop3A_181, %get3A_1 : vector<16xf32>
        %parallel_loop3A_185 = arith.extui %parallel_loop3A_184 : vector<16xi1> to vector<16xi32>
        %parallel_loop3A_186 = arith.index_cast %parallel_loop3A_159 : i32 to index
        %parallel_loop3A_187 = arith.index_cast %parallel_loop3A_178 : i32 to index
        %parallel_loop3A_188 = tpu.vector_load %arg11[%parallel_loop3A_186, %parallel_loop3A_187] {strides = array<i32>} : memref<64x128xi32, #tpu.memory_space<vmem>>, vector<16xi32>,
        tpu.vector_store %arg11[%parallel_loop3A_186, %parallel_loop3A_187], %parallel_loop3A_183 {strides = array<i32>} : memref<64x128xi32, #tpu.memory_space<vmem>>, vector<16xi32>,
        %parallel_loop3A_189 = arith.constant 1 : i32
        %parallel_loop3A_190 = vector.broadcast %parallel_loop3A_189 : i32 to vector<16xi32>
        %parallel_loop3A_191 = arith.subi %parallel_loop3A_190, %parallel_loop3A_183 : vector<16xi32>
        %parallel_loop3A_192 = arith.subi %parallel_loop3A_191, %parallel_loop3A_185 : vector<16xi32>
        %parallel_loop3A_193 = arith.index_cast %parallel_loop3A_159 : i32 to index
        %parallel_loop3A_194 = arith.index_cast %parallel_loop3A_178 : i32 to index
        %parallel_loop3A_195 = tpu.vector_load %arg12[%parallel_loop3A_193, %parallel_loop3A_194] {strides = array<i32>} : memref<64x128xi32, #tpu.memory_space<vmem>>, vector<16xi32>,
        tpu.vector_store %arg12[%parallel_loop3A_193, %parallel_loop3A_194], %parallel_loop3A_192 {strides = array<i32>} : memref<64x128xi32, #tpu.memory_space<vmem>>, vector<16xi32>,
        %parallel_loop3A_196 = arith.index_cast %parallel_loop3A_159 : i32 to index
        %parallel_loop3A_197 = arith.index_cast %parallel_loop3A_178 : i32 to index
        %parallel_loop3A_198 = tpu.vector_load %arg13[%parallel_loop3A_196, %parallel_loop3A_197] {strides = array<i32>} : memref<64x128xi32, #tpu.memory_space<vmem>>, vector<16xi32>,
        tpu.vector_store %arg13[%parallel_loop3A_196, %parallel_loop3A_197], %parallel_loop3A_185 {strides = array<i32>} : memref<64x128xi32, #tpu.memory_space<vmem>>, vector<16xi32>,
      } {sc.loop_unroll_factor = 8 : i64, sc.parallel_access}
      %mul3A_107 = arith.constant 64 : i32
      %mul3A_108 = arith.muli %add3A_92, %mul3A_107 : i32
      %add3A_109 = arith.constant 0 : i32
      %add3A_110 = arith.addi %mul3A_7, %add3A_109 : i32
      %add3A_111 = arith.addi %add3A_110, %mul3A_108 : i32
      %dma_start3A_112 = arith.constant 0 : i32
      %dma_start3A_113 = tpu.memref_slice %arg5[%add3A_111, %dma_start3A_112] : memref<98304x128xi32, #tpu.memory_space<hbm>> -> memref<64x128xi32, #tpu.memory_space<hbm>>
      %dma_start3A_114 = arith.constant 0 : i32
      %dma_start3A_115 = tpu.memref_slice %arg5[%add3A_111, %dma_start3A_114] : memref<98304x128xi32, #tpu.memory_space<hbm>> -> memref<64x128xi32, #tpu.memory_space<hbm>>
      tpu.enqueue_dma source(%arg11 : memref<64x128xi32, #tpu.memory_space<vmem>>) target(%dma_start3A_115 : memref<64x128xi32, #tpu.memory_space<hbm>>) target_semaphore(%arg19 : memref<!tpu.dma_semaphore, #tpu.memory_space<semaphore_mem>>)
      %add3A_116 = arith.constant 1024 : i32
      %add3A_117 = arith.addi %mul3A_7, %add3A_116 : i32
      %add3A_118 = arith.addi %add3A_117, %mul3A_108 : i32
      %dma_start3A_119 = arith.constant 0 : i32
      %dma_start3A_120 = tpu.memref_slice %arg5[%add3A_118, %dma_start3A_119] : memref<98304x128xi32, #tpu.memory_space<hbm>> -> memref<64x128xi32, #tpu.memory_space<hbm>>
      %dma_start3A_121 = arith.constant 0 : i32
      %dma_start3A_122 = tpu.memref_slice %arg5[%add3A_118, %dma_start3A_121] : memref<98304x128xi32, #tpu.memory_space<hbm>> -> memref<64x128xi32, #tpu.memory_space<hbm>>
      tpu.enqueue_dma source(%arg12 : memref<64x128xi32, #tpu.memory_space<vmem>>) target(%dma_start3A_122 : memref<64x128xi32, #tpu.memory_space<hbm>>) target_semaphore(%arg19 : memref<!tpu.dma_semaphore, #tpu.memory_space<semaphore_mem>>)
      %add3A_123 = arith.constant 2048 : i32
      %add3A_124 = arith.addi %mul3A_7, %add3A_123 : i32
      %add3A_125 = arith.addi %add3A_124, %mul3A_108 : i32
      %dma_start3A_126 = arith.constant 0 : i32
      %dma_start3A_127 = tpu.memref_slice %arg5[%add3A_125, %dma_start3A_126] : memref<98304x128xi32, #tpu.memory_space<hbm>> -> memref<64x128xi32, #tpu.memory_space<hbm>>
      %dma_start3A_128 = arith.constant 0 : i32
      %dma_start3A_129 = tpu.memref_slice %arg5[%add3A_125, %dma_start3A_128] : memref<98304x128xi32, #tpu.memory_space<hbm>> -> memref<64x128xi32, #tpu.memory_space<hbm>>
      tpu.enqueue_dma source(%arg13 : memref<64x128xi32, #tpu.memory_space<vmem>>) target(%dma_start3A_129 : memref<64x128xi32, #tpu.memory_space<hbm>>) target_semaphore(%arg19 : memref<!tpu.dma_semaphore, #tpu.memory_space<semaphore_mem>>)
      %lt3A_130 = arith.constant 7 : i32
      %lt3A_131 = arith.cmpi slt, %scan3A_47, %lt3A_130 : i32
      %convert_element_type3A_132 = arith.extui %lt3A_131 : i1 to i32
      %cond3A_133 = arith.constant 0 : i32
      %cond3A_134 = arith.cmpi ne, %convert_element_type3A_132, %cond3A_133 : i32
      scf.if %cond3A_134 {
        %add3A_135 = arith.constant 2 : i32
        %add3A_136 = arith.addi %add3A_92, %add3A_135 : i32
        %mul3A_137 = arith.constant 64 : i32
        %mul3A_138 = arith.muli %add3A_136, %mul3A_137 : i32
        %add3A_139 = arith.addi %mul3A_5, %mul3A_138 : i32
        %dma_start3A_140 = arith.constant 0 : i32
        %dma_start3A_141 = tpu.memref_slice %arg2[%add3A_139, %dma_start3A_140] : memref<32768x128xf32, #tpu.memory_space<hbm>> -> memref<64x128xf32, #tpu.memory_space<hbm>>
        %dma_start3A_142 = arith.constant 0 : i32
        %dma_start3A_143 = tpu.memref_slice %arg2[%add3A_139, %dma_start3A_142] : memref<32768x128xf32, #tpu.memory_space<hbm>> -> memref<64x128xf32, #tpu.memory_space<hbm>>
        tpu.enqueue_dma source(%dma_start3A_143 : memref<64x128xf32, #tpu.memory_space<hbm>>) target(%arg7 : memref<64x128xf32, #tpu.memory_space<vmem>>) target_semaphore(%arg17 : memref<!tpu.dma_semaphore, #tpu.memory_space<semaphore_mem>>)
      } else {
      }
    }
    %scan3A_23 = arith.constant 8 : i32
    %dma_wait3A = arith.constant 0 : i32
    %dma_wait3A_24 = tpu.memref_slice %arg5[%mul3A_7, %dma_wait3A] : memref<98304x128xi32, #tpu.memory_space<hbm>> -> memref<64x128xi32, #tpu.memory_space<hbm>>
    %dma_wait3A_25 = arith.constant 0 : i32
    %dma_wait3A_26 = tpu.memref_slice %arg5[%mul3A_7, %dma_wait3A_25] : memref<98304x128xi32, #tpu.memory_space<hbm>> -> memref<64x128xi32, #tpu.memory_space<hbm>>
    tpu.wait_dma2 semaphore(%arg18 : memref<!tpu.dma_semaphore, #tpu.memory_space<semaphore_mem>>) src(%arg8 : memref<64x128xi32, #tpu.memory_space<vmem>>) dst(%dma_wait3A_26 : memref<64x128xi32, #tpu.memory_space<hbm>>)
    %dma_wait3A_27 = arith.constant 0 : i32
    %dma_wait3A_28 = tpu.memref_slice %arg5[%mul3A_7, %dma_wait3A_27] : memref<98304x128xi32, #tpu.memory_space<hbm>> -> memref<64x128xi32, #tpu.memory_space<hbm>>
    %dma_wait3A_29 = arith.constant 0 : i32
    %dma_wait3A_30 = tpu.memref_slice %arg5[%mul3A_7, %dma_wait3A_29] : memref<98304x128xi32, #tpu.memory_space<hbm>> -> memref<64x128xi32, #tpu.memory_space<hbm>>
    tpu.wait_dma2 semaphore(%arg18 : memref<!tpu.dma_semaphore, #tpu.memory_space<semaphore_mem>>) src(%arg9 : memref<64x128xi32, #tpu.memory_space<vmem>>) dst(%dma_wait3A_30 : memref<64x128xi32, #tpu.memory_space<hbm>>)
    %dma_wait3A_31 = arith.constant 0 : i32
    %dma_wait3A_32 = tpu.memref_slice %arg5[%mul3A_7, %dma_wait3A_31] : memref<98304x128xi32, #tpu.memory_space<hbm>> -> memref<64x128xi32, #tpu.memory_space<hbm>>
    %dma_wait3A_33 = arith.constant 0 : i32
    %dma_wait3A_34 = tpu.memref_slice %arg5[%mul3A_7, %dma_wait3A_33] : memref<98304x128xi32, #tpu.memory_space<hbm>> -> memref<64x128xi32, #tpu.memory_space<hbm>>
    tpu.wait_dma2 semaphore(%arg18 : memref<!tpu.dma_semaphore, #tpu.memory_space<semaphore_mem>>) src(%arg10 : memref<64x128xi32, #tpu.memory_space<vmem>>) dst(%dma_wait3A_34 : memref<64x128xi32, #tpu.memory_space<hbm>>)
    %dma_wait3A_35 = arith.constant 0 : i32
    %dma_wait3A_36 = tpu.memref_slice %arg5[%mul3A_7, %dma_wait3A_35] : memref<98304x128xi32, #tpu.memory_space<hbm>> -> memref<64x128xi32, #tpu.memory_space<hbm>>
    %dma_wait3A_37 = arith.constant 0 : i32
    %dma_wait3A_38 = tpu.memref_slice %arg5[%mul3A_7, %dma_wait3A_37] : memref<98304x128xi32, #tpu.memory_space<hbm>> -> memref<64x128xi32, #tpu.memory_space<hbm>>
    tpu.wait_dma2 semaphore(%arg19 : memref<!tpu.dma_semaphore, #tpu.memory_space<semaphore_mem>>) src(%arg11 : memref<64x128xi32, #tpu.memory_space<vmem>>) dst(%dma_wait3A_38 : memref<64x128xi32, #tpu.memory_space<hbm>>)
    %dma_wait3A_39 = arith.constant 0 : i32
    %dma_wait3A_40 = tpu.memref_slice %arg5[%mul3A_7, %dma_wait3A_39] : memref<98304x128xi32, #tpu.memory_space<hbm>> -> memref<64x128xi32, #tpu.memory_space<hbm>>
    %dma_wait3A_41 = arith.constant 0 : i32
    %dma_wait3A_42 = tpu.memref_slice %arg5[%mul3A_7, %dma_wait3A_41] : memref<98304x128xi32, #tpu.memory_space<hbm>> -> memref<64x128xi32, #tpu.memory_space<hbm>>
    tpu.wait_dma2 semaphore(%arg19 : memref<!tpu.dma_semaphore, #tpu.memory_space<semaphore_mem>>) src(%arg12 : memref<64x128xi32, #tpu.memory_space<vmem>>) dst(%dma_wait3A_42 : memref<64x128xi32, #tpu.memory_space<hbm>>)
    %dma_wait3A_43 = arith.constant 0 : i32
    %dma_wait3A_44 = tpu.memref_slice %arg5[%mul3A_7, %dma_wait3A_43] : memref<98304x128xi32, #tpu.memory_space<hbm>> -> memref<64x128xi32, #tpu.memory_space<hbm>>
    %dma_wait3A_45 = arith.constant 0 : i32
    %dma_wait3A_46 = tpu.memref_slice %arg5[%mul3A_7, %dma_wait3A_45] : memref<98304x128xi32, #tpu.memory_space<hbm>> -> memref<64x128xi32, #tpu.memory_space<hbm>>
    tpu.wait_dma2 semaphore(%arg19 : memref<!tpu.dma_semaphore, #tpu.memory_space<semaphore_mem>>) src(%arg13 : memref<64x128xi32, #tpu.memory_space<vmem>>) dst(%dma_wait3A_46 : memref<64x128xi32, #tpu.memory_space<hbm>>)
    return
  }
}

</mosaic_0001>

<sc_bundles>
// kernel: kernel.3.cloned.1.call-start
scs
__scs_entry_jumppad:
0x0: {  	(pc) =	sbr.rel $0x88, $3  }
0x1: {  	(tag) =	ssettag $0x0;
	lr =	simm.s32 $0x1  }
0x2: {  	[smem:$0x3F9E] =	sst lr;
	_ =	strace $0xD0000000  }
0x3: {  	_ = 	snop  }
0x4: {  	_ = 	snop  }
0x5: {  	_ = 	snop  }
0x6: {  	_ = 	snop  }
0x7: {  	_ = 	snop  }
__scs_overlays_trampoline_lowered:
0x8: {  	[smem:$0x3FAD] =	sst s0  }
0x9: {  	[smem:$0x3FAE] =	sst s1  }
0xa: {  	[smem:$0x3FAF] =	sst s2  }
0xb: {  	[smem:$0x3FB0] =	sst s3  }
0xc: {  	[smem:$0x3FB1] =	sst s4  }
0xd: {  	[smem:$0x3FB2] =	sst s5  }
0xe: {  	[smem:$0x3FB3] =	sst s6  }
0xf: {  	[smem:$0x3FB4] =	sst s7  }
0x10: {  	[smem:$0x3FB5] =	sst s8  }
0x11: {  	[smem:$0x3FB6] =	sst s9;
	s0 =	simm.s32 @!p0 $0x0  }
0x12: {  	s1 =	sld [smem:$0x3F9C];
	s0 =	simm.s32 @p0 $0x1  }
0x13: {  	[smem:$0x3FB7] =	sst s0;
	s0 =	simm.s32 @!p1 $0x0  }
0x14: {  	s2 =	sld [smem:$0x3F9B];
	s0 =	simm.s32 @p1 $0x1  }
0x15: {  	[smem:$0x3FB8] =	sst s0;
	s0 =	simm.s32 @!p2 $0x0  }
0x16: {  	s3 =	sld [smem:$0x3FDB];
	s0 =	simm.s32 @p2 $0x1  }
0x17: {  	s4 =	simm.s32 $0x1BF5;
	[smem:$0x3FBA] =	sst s0  }
0x18: {  	s0 =	sld [smem:$0x3F9D];
	_ =	swait.ge [sflag:s4], $0x0  }
0x19: {  	s7 =	sld [smem:$0x3F9E]  }
0x1a: {  	s8 =	sadd.s32 $0xFFFFE003, lr  }
0x1b: {  	s9 =	sadd.s32 $0xFFFFFEF7, lr;
	s5 =	simm.s32 $0xFFFFFFFF;
	p2 =	slt.u32 s8, $0xFFFFF086  }
0x1c: {  	p1 =	slt.u32 s9, $0xF7A;
	s5 =	simm.s32 @!p2 $0x0  }
0x1d: {  	s5 =	simm.s32 @p1 $0x1;
	p0 =	seq.s32 s7, s2  }
0x1e: {  	s7 =	smul.u32 @!p0 $0xF7A, s2;
	p2 =	seq.s32 @!p0 s5, $0x0  }
0x1f: {  	s9 =	smul.u32 $0xF7A, s1;
	s8 =	simm.s32 @!p0 $0x1BF5;
	p2 =	por !p2, p0  }
0x20: {  	[sflag:s8] =	ssyncset.s32 @!p0 $0xFFFFF086;
	s6 =	sadd.s32 @!p0 s3, s7;
	s7 =	simm.s32 @!p0 $0x108  }
0x21: {  	s3 =	sadd.s32 s3, s9;
	s6 =	sadd.s32 @!p0 $0x88, s6;
	s7 =	simm.s32 @p2 $0x1082  }
0x22: {  	[simem:s7], [sflag:s8] =	dma.local @!p0 [hbm:s6], $0xF7A  }
0x23: {  	s9 =	sor.u32 $0xD0000000, s2;
	s6 =	simm.s32 $0x108;
	_ =	swait.ge @!p0 [sflag:s8], $0x0  }
0x24: {  	s3 =	sadd.s32 $0x88, s3;
	s6 =	simm.s32 @!p1 $0x1082;
	[sflag:s4] =	ssyncset.s32 $0xFFFFF086  }
0x25: {  	[simem:s6], [sflag:s4] =	dma.local [hbm:s3], $0xF7A  }
0x26: {  	[smem:$0x3F9E] =	sst s1;
	(tag) =	ssettag s2;
	_ =	strace s9  }
0x27: {  	s1 =	sld [smem:$0x3FAE]  }
0x28: {  	s2 =	sld [smem:$0x3FAF]  }
0x29: {  	s4 =	sld [smem:$0x3FB1]  }
0x2a: {  	p0 =	seq.s32 s5, $0x0;
	s5 =	sld [smem:$0x3FB2]  }
0x2b: {  	s6 =	sld [smem:$0x3FB3]  }
0x2c: {  	s7 =	sld [smem:$0x3FB4]  }
0x2d: {  	s3 =	simm.s32 $0x108;
	s8 =	sld [smem:$0x3FB5]  }
0x2e: {  	s3 =	simm.s32 @!p0 $0x1082;
	s9 =	sld [smem:$0x3FB6]  }
0x2f: {  	lr =	sadd.s32 s0, s3;
	s0 =	sld [smem:$0x3FAD]  }
0x30: {  	s3 =	sld [smem:$0x3FB0]  }
0x31: {  	[smem:$0x3FB9] =	sst s10  }
0x32: {  	s10 =	sld [smem:$0x3FB7];
	_ =	sdelay $0x3  }
0x33: {  	p0 =	seq.s32 s10, $0x1;
	s10 =	sld [smem:$0x3FB9];
	_ =	sdelay $0x3  }
0x34: {  	[smem:$0x3FB9] =	sst s10  }
0x35: {  	s10 =	sld [smem:$0x3FB8];
	_ =	sdelay $0x3  }
0x36: {  	p1 =	seq.s32 s10, $0x1;
	s10 =	sld [smem:$0x3FB9];
	_ =	sdelay $0x3  }
0x37: {  	[smem:$0x3FB9] =	sst s10  }
0x38: {  	s10 =	sld [smem:$0x3FBA]  }
0x39: {  	_ = 	snop;
	(pc) =	sbr.ind lr, $3  }
0x3a: {  	_ = 	snop  }
0x3b: {  	_ = 	snop  }
0x3c: {  	p2 =	seq.s32 s10, $0x1;
	s10 =	sld [smem:$0x3FB9]  }
0x3d: {  	_ =	shalt  }
0x3e: {  	_ =	shalt  }
0x3f: {  	_ =	shalt  }
0x40: {  	_ =	shalt  }
0x41: {  	_ =	shalt  }
0x42: {  	_ =	shalt  }
0x43: {  	_ =	shalt  }
0x44: {  	_ =	shalt  }
0x45: {  	_ =	shalt  }
0x46: {  	_ =	shalt  }
0x47: {  	_ =	shalt  }
0x48: {  	_ =	shalt  }
0x49: {  	_ =	shalt  }
0x4a: {  	_ =	shalt  }
0x4b: {  	_ =	shalt  }
0x4c: {  	_ =	shalt  }
0x4d: {  	_ =	shalt  }
0x4e: {  	_ =	shalt  }
0x4f: {  	_ =	shalt  }
0x50: {  	_ =	shalt  }
0x51: {  	_ =	shalt  }
0x52: {  	_ =	shalt  }
0x53: {  	_ =	shalt  }
0x54: {  	_ =	shalt  }
0x55: {  	_ =	shalt  }
0x56: {  	_ =	shalt  }
0x57: {  	_ =	shalt  }
0x58: {  	_ =	shalt  }
0x59: {  	_ =	shalt  }
0x5a: {  	_ =	shalt  }
0x5b: {  	_ =	shalt  }
0x5c: {  	_ =	shalt  }
0x5d: {  	_ =	shalt  }
0x5e: {  	_ =	shalt  }
0x5f: {  	_ =	shalt  }
0x60: {  	_ =	shalt  }
0x61: {  	_ =	shalt  }
0x62: {  	_ =	shalt  }
0x63: {  	_ =	shalt  }
0x64: {  	_ =	shalt  }
0x65: {  	_ =	shalt  }
0x66: {  	_ =	shalt  }
0x67: {  	_ =	shalt  }
0x68: {  	_ =	shalt  }
0x69: {  	_ =	shalt  }
0x6a: {  	_ =	shalt  }
0x6b: {  	_ =	shalt  }
0x6c: {  	_ =	shalt  }
0x6d: {  	_ =	shalt  }
0x6e: {  	_ =	shalt  }
0x6f: {  	_ =	shalt  }
0x70: {  	_ =	shalt  }
0x71: {  	_ =	shalt  }
0x72: {  	_ =	shalt  }
0x73: {  	_ =	shalt  }
0x74: {  	_ =	shalt  }
0x75: {  	_ =	shalt  }
0x76: {  	_ =	shalt  }
0x77: {  	_ =	shalt  }
0x78: {  	_ =	shalt  }
0x79: {  	_ =	shalt  }
0x7a: {  	_ =	shalt  }
0x7b: {  	_ =	shalt  }
0x7c: {  	_ =	shalt  }
0x7d: {  	_ =	shalt  }
0x7e: {  	_ =	shalt  }
0x7f: {  	_ =	shalt  }
0x80: {  	_ =	shalt  }
0x81: {  	_ =	shalt  }
0x82: {  	_ =	shalt  }
0x83: {  	_ =	shalt  }
0x84: {  	_ =	shalt  }
0x85: {  	_ =	shalt  }
0x86: {  	_ =	shalt  }
0x87: {  	_ =	shalt  }
.Lfunc_end0:
.L_simem_size_0:
called_computation_lowered:
.L_overlay_start_0:
0x88: {  	s2 =	sld [smem:$0x3FD9]  }
0x89: {  	s3 =	sld [smem:$0x3FFE];
	_ =	sdelay $0x1  }
0x8a: {  	s1 =	srdreg.scid  }
0x8b: {  	s0 =	sand.u32 $0x1, s1  }
0x8c: {  	s17 =	sshll.u32 s0, $0xA;
	s2 =	sadd.s32 s3, s2  }
0x8d: {  	s2 =	sadd.s32 s2, s17  }
0x8e: {  	[smem:$0x3FC5] =	sst s2  }
0x8f: {  	_ = 	snop  }
0x90: {  	s2 =	sld [smem:$0x3FC9]  }
0x91: {  	s18 =	sld [smem:$0x3FD0];
	(tm) =	ssettm $0x1  }
0x92: {  	s4 =	sld [smem:$0x3FFB];
	_ =	sdelay $0x3  }
0x93: {  	_ =	strace s4  }
0x94: {  	s4 =	sld [smem:$0x3FFC];
	_ =	sdelay $0x3  }
0x95: {  	_ =	strace s4  }
0x96: {  	s4 =	sld [smem:$0x3FFD];
	_ =	sdelay $0x3  }
0x97: {  	_ =	strace s4  }
0x98: {  	_ =	strace $0x8FFFFFFF  }
0x99: {  	s19 =	sld [smem:$0x3FDB];
	_ =	sdelay $0x1  }
0x9a: {  	s5 =	simm.s32 $_scs_section_size  }
0x9b: {  	s6 =	simm.s32 $_size__tile_overlayer_lowered;
	s7 =	simm.s32 $_tile_overlayer_lowered  }
0x9c: {  	s22 =	simm.s32 $0x1BFF;
	s21 =	sshll.u32 s7, $0x1;
	s4 =	sadd.s32 s5, s19  }
0x9d: {  	s8 =	simm.s32 $0x0;
	s20 =	sshll.u32 s6, $0x1;
	s6 =	sadd.s32 s21, s4  }
0x9e: {  	[timem:s8], [sflag:s22] =	dma.local [hbm:s6], s20  }
0x9f: {  	_ =	swait.ge [sflag:s22], s20  }
0xa0: {  	s5 =	ssub.s32 $0x0, s20;
	[sflag:s22] =	ssyncset.done $0x0  }
0xa1: {  	[sflag:s22] =	ssyncadd.s32 s5;
	_ =	sdelay $0x1  }
0xa2: {  	s23 =	simm.s32 $0x1B8B  }
0xa3: {  	_ =	swait.ge [sflag:s23], $0x1  }
0xa4: {  	[sflag:s23] =	ssyncset.done $0x0  }
0xa5: {  	s25 =	simm.s32 $0x1B8E;
	s24 =	sld [smem:$0x3FFE];
	[sflag:s23] =	ssyncadd.s32 $0xFFFFFFFF  }
0xa6: {  	s26 =	simm.s32 $execute0_lowered;
	[smem:$0x3FD2] =	sst s25  }
0xa7: {  	s6 =	sshll.u32 s26, $0x1;
	_ =	strace $0x80000046;
	[dreg:$0x1] =	wrdreg $0xFFFFFFFF  }
0xa8: {  	s28 =	simm.s32 $_size_execute0_lowered;
	s4 =	sadd.s32 s4, s6;
	[dreg:$0x0] =	wrdreg $0x0  }
0xa9: {  	s6 =	sshll.u32 s28, $0x1;
	[dreg:$0x2] =	wrdreg s4  }
0xaa: {  	[dreg:$0x3] =	wrdreg s6  }
0xab: {  	[dreg:$0x4] =	wrdreg $0xC0  }
0xac: {  	_ =	task [dreg:s8], $0x5FFFF  }
0xad: {  	[dreg:$0x1] =	wrdreg $0xFFFFFFFF  }
0xae: {  	[dreg:$0x0] =	wrdreg $0x60  }
0xaf: {  	[dreg:$0x2] =	wrdreg s2  }
0xb0: {  	[dreg:$0x3] =	wrdreg s24  }
0xb1: {  	[dreg:$0x4] =	wrdreg s18  }
0xb2: {  	[dreg:$0x5] =	wrdreg $0x9  }
0xb3: {  	_ =	task.clear_ibuf [dreg:s8], $0x6FFFF;
	_ =	strace $0x90000046  }
0xb4: {  	s29 =	simm.s32 $0x9;
	_ =	strace $0x80000048  }
0xb5: {  	_ =	swait.ge [sflag:s29], $0x1  }
0xb6: {  	[sflag:s29] =	ssyncadd.s32 $0xFFFFFFFF  }
0xb7: {  	_ =	strace $0x90000048  }
0xb8: {  	_ =	sfence  }
0xb9: {  	s30 =	sld [smem:$0x0];
	_ =	sdelay $0x2  }
0xba: {  	s31 =	sshll.u32 s1, $0xD;
	s1 =	sshrl.u32 s1, $0x2  }
0xbb: {  	s3 =	sand.u32 $0x4000, s31;
	s1 =	sadd.s32 s1, s30  }
0xbc: {  	s0 =	sor.u32 s3, s0;
	s1 =	sshll.u32 s1, $0x11  }
0xbd: {  	s0 =	sor.u32 s1, s0  }
0xbe: {  	s0 =	sadd.s32 $0x8F2B, s0  }
0xbf: {  	[sflag:s0] =	ssyncadd.remote.s32 $0x1  }
0xc0: {  	_ =	sfence.sel $0xFFFF  }
0xc1: {  	[dreg:$0x0] =	wrdreg $0xFFFFFFFF;
	(pc) =	sbr.abs _section_cstart, $3  }
0xc2: {  	[dreg:$0x1] =	wrdreg $0xFFFFFFFF  }
0xc3: {  	_ =	task.clear_ibuf [dreg:s8], $0x2FFFF;
	_ =	strace $0x9FFFFFFF  }
0xc4: {  	(tm) =	ssettm $0x7FFFFFFF  }
0xc5: {  	_ =	shalt  }
tec
execute0_lowered:
.L_overlay_start_1:
0x0: {  	(tag) =	ssettag $0x1  }
0x1: {  	s1 =	rddreg [dreg:$0x0]  }
0x2: {  	s0 =	rddreg [dreg:$0x1]  }
0x3: {  	s2 =	rddreg [dreg:$0x2]  }
0x4: {  	s4 =	simm.s32 $0x0;
	s3 =	srdreg.scid;
	s5 =	stileid.u32  }
0x5: {  	s16 =	simm.s32 $0x5;
	s18 =	simm.s32 $0x2000;
	s19 =	simm.s32 $0x1  }
0x6: {  	s20 =	simm.s32 $0x4000;
	s21 =	simm.s32 $0x6000;
	s22 =	simm.s32 $0x8000  }
0x7: {  	s23 =	simm.s32 $0x2;
	s28 =	simm.s32 $0xE000;
	s29 =	simm.s32 $0x3  }
0x8: {  	s30 =	simm.s32 $0x0;
	[smem:$0x7FF] =	sst s4;
	s6 =	sadd.s32 $0x400, s0  }
0x9: {  	s3 =	sand.u32 $0x1, s3;
	s5 =	sshll.u32 s5, $0x1;
	s0 =	sadd.s32 $0x600, s0  }
0xa: {  	_ =	strace $0x80000047;
	[dreg:$0x4] =	wrdreg s6;
	s24 =	ssub.s32 $0x2, s3  }
0xb: {  	[dreg:$0x5] =	wrdreg s0;
	s3 =	sor.u32 s3, s5;
	s25 =	sshrl.u32 s24, $0x1  }
0xc: {  	s7 =	smul.u32 $0xC00, s3;
	s26 =	sshll.u32 s3, $0xE;
	s3 =	sshll.u32 s3, $0xA  }
.Ltmp0:
0xd: {  	s0 =	ssub.s32 s24, s25;
	s31 =	sadd.s32 s1, s26;
	(pc) =	sbr.rel .LBB2_1-.Ltmp0, $4  }
0xe: {  	s12 =	sor.u32 $0x80, s3;
	s13 =	sor.u32 $0xC0, s3;
	s24 =	simm.s32 $0x4  }
0xf: {  	s25 =	simm.s32 $0xA000;
	[dreg:$0x6] =	wrdreg s31;
	s5 =	sadd.s32 $0x400, s31  }
0x10: {  	s26 =	simm.s32 $0xC000;
	s0 =	smax.u32 s0, $0x1;
	[dreg:$0x7] =	wrdreg s5  }
0x11: {  	v0 =	vimm.s32 $0x0;
	s10 =	sadd.s32 $0x400, s7;
	s11 =	sadd.s32 $0x800, s7;
	[dreg:$0x8] =	wrdreg s0  }
.LBB2_12:
0x12: {  	_ =	swait.ge [sflag:s29], $0x2000  }
0x13: {  	[sflag:s29] =	ssyncset.done $0x0  }
0x14: {  	[sflag:s29] =	ssyncadd.s32 $0xFFFFE000  }
0x15: {  	_ =	swait.ge [sflag:s29], $0x2000  }
0x16: {  	[sflag:s29] =	ssyncset.done $0x0  }
0x17: {  	[sflag:s29] =	ssyncadd.s32 $0xFFFFE000  }
0x18: {  	_ =	swait.ge [sflag:s29], $0x2000  }
0x19: {  	[sflag:s29] =	ssyncset.done $0x0  }
0x1a: {  	[sflag:s29] =	ssyncadd.s32 $0xFFFFE000  }
0x1b: {  	_ =	swait.ge [sflag:s24], $0x2000  }
0x1c: {  	[sflag:s24] =	ssyncset.done $0x0  }
0x1d: {  	[sflag:s24] =	ssyncadd.s32 $0xFFFFE000  }
0x1e: {  	_ =	swait.ge [sflag:s24], $0x2000  }
0x1f: {  	[sflag:s24] =	ssyncset.done $0x0  }
0x20: {  	[sflag:s24] =	ssyncadd.s32 $0xFFFFE000  }
0x21: {  	_ =	swait.ge [sflag:s24], $0x2000  }
0x22: {  	s30 =	sadd.s32 $0x1, s30;
	s0 =	rddreg [dreg:$0x8]  }
0x23: {  	p0 =	sne.s32 s30, s0  }
.Ltmp1:
0x24: {  	_ = 	snop;
	(pc) =	sbr.rel @!p0 .LBB2_13-.Ltmp1, $3  }
0x25: {  	_ =	sdelay $0x1  }
0x26: {  	[sflag:s24] =	ssyncset.done $0x0  }
0x27: {  	[sflag:s24] =	ssyncadd.s32 $0xFFFFE000  }
.LBB2_1:
0x28: {  	s0 =	rddreg [dreg:$0x4];
	s3 =	simm.s32 $0x10000  }
0x29: {  	[tilespmem:s3], [sflag:$0x5] =	stream.linear.gather [hbm4b:s0+s4], $0x80, $0x38;
	[tilespmem:$0x10100] =	vst v63  }
0x2a: {  	_ =	swait.ge [sflag:s16], $0x80  }
0x2b: {  	[sflag:s16] =	ssyncset.done $0x0  }
0x2c: {  	s14 =	simm.s32 $0x10080;
	s9 =	rddreg [dreg:$0x5];
	[sflag:s16] =	ssyncadd.s32 $0xFFFFFF80  }
0x2d: {  	[tilespmem:s14], [sflag:$0x5] =	stream.linear.gather [hbm4b:s9+s4], $0x80, $0x38;
	[tilespmem:$0x10100] =	vst v63  }
0x2e: {  	_ =	swait.ge [sflag:s16], $0x80  }
0x2f: {  	[sflag:s16] =	ssyncset.done $0x0  }
0x30: {  	[sflag:s16] =	ssyncadd.s32 $0xFFFFFF80  }
0x31: {  	s15 =	rddreg [dreg:$0x6];
	v1 =	vld [tilespmem:$0x10000]  }
0x32: {  	v2 =	vld [tilespmem:$0x10080];
	[tilespmem:s4], [sflag:$0x1] =	stream.linear.gather [hbm4b:s15+s4], $0x2000, $0x38  }
0x33: {  	s31 =	simm.s32 $0x0;
	s17 =	rddreg [dreg:$0x7]  }
0x34: {  	[tilespmem:s18], [sflag:$0x2] =	stream.linear.gather [hbm4b:s17+s4], $0x2000, $0x38;
	[tilespmem:$0x10100] =	vst v63  }
.LBB2_2:
0x35: {  	_ =	swait.ge [sflag:s19], $0x2000  }
0x36: {  	p0 =	seq.s32 s31, $0x0;
	[sflag:s19] =	ssyncset.done $0x0  }
0x37: {  	s0 =	simm.s32 @!p0 $0x3;
	[sflag:s19] =	ssyncadd.s32 $0xFFFFE000  }
0x38: {  	_ =	swait.ge @!p0 [sflag:s0], $0x2000  }
0x39: {  	[sflag:s0] =	ssyncset.done @!p0 $0x0  }
0x3a: {  	[sflag:s0] =	ssyncadd.s32 @!p0 $0xFFFFE000  }
0x3b: {  	_ =	swait.ge @!p0 [sflag:s0], $0x2000  }
0x3c: {  	[sflag:s0] =	ssyncset.done @!p0 $0x0  }
0x3d: {  	[sflag:s0] =	ssyncadd.s32 @!p0 $0xFFFFE000  }
0x3e: {  	_ =	swait.ge @!p0 [sflag:s0], $0x2000  }
0x3f: {  	[sflag:s0] =	ssyncset.done @!p0 $0x0  }
0x40: {  	s14 =	simm.s32 $0x40;
	[sflag:s0] =	ssyncadd.s32 @!p0 $0xFFFFE000  }
0x41: {  	v3 =	vld [tilespmem:s14+$0xFFFFFFC0]  }
0x42: {  	v4 =	vld [tilespmem:s14+$0xFFFFFFF0];
	_ =	sdelay $0x2  }
0x43: {  	v5 =	vld [tilespmem:s14+$0x20]  }
0x44: {  	v8 =	vld [tilespmem:s14+$0x10];
	vm0 =	vle.f32 v3, v2  }
0x45: {  	v6 =	vld [tilespmem:s14+$0x0];
	vm1 =	vgt.f32 v3, v1;
	vm3 =	vle.f32 v4, v2;
	vm4 =	vgt.f32 v4, v1  }
0x46: {  	s15 =	simm.s32 $0x4040;
	vm2 =	vmneg vm0;
	vm5 =	vmneg vm3;
	v3 =	vsel vm3, $0x1, v0  }
0x47: {  	v12 =	vld [tilespmem:s14+$0xFFFFFFE0];
	v4 =	vsel vm0, $0x1, v0;
	v9 =	vsel vm4, $0x1, v0;
	[tilespmem:s15+$0xFFFFFFF0] =	vst v3;
	v3 =	vsel vm5, $0x1, v0  }
0x48: {  	s3 =	simm.s32 $0x6040;
	v7 =	vld [tilespmem:s14+$0xFFFFFFD0];
	v10 =	vsel vm1, $0x1, v0;
	v11 =	vsel vm2, $0x1, v0;
	[tilespmem:s15+$0xFFFFFFC0] =	vst v4;
	v3 =	vsub.s32 v3, v9  }
0x49: {  	vm0 =	vle.f32 v5, v2;
	vm1 =	vle.f32 v8, v2;
	v4 =	vsub.s32 v11, v10;
	[tilespmem:s3+$0xFFFFFFF0] =	vst v3  }
0x4a: {  	vm3 =	vgt.f32 v6, v1;
	vm2 =	vgt.f32 v5, v1;
	[tilespmem:s3+$0xFFFFFFC0] =	vst v4;
	v4 =	vsel vm1, $0x1, v0  }
0x4b: {  	s17 =	simm.s32 $0x8040;
	vm4 =	vmneg vm1;
	vm6 =	vmneg vm0;
	v11 =	vsel vm3, $0x1, v0;
	[tilespmem:s15+$0x10] =	vst v4  }
0x4c: {  	v5 =	vld [tilespmem:s14+$0x30];
	vm3 =	vgt.f32 v12, v1;
	vm1 =	vle.f32 v6, v2;
	v3 =	vsel vm2, $0x1, v0;
	[tilespmem:s17+$0xFFFFFFC0] =	vst v10  }
0x4d: {  	vm2 =	vle.f32 v7, v2;
	v6 =	vsel vm0, $0x1, v0;
	vm0 =	vle.f32 v12, v2;
	[tilespmem:s17+$0xFFFFFFF0] =	vst v9  }
0x4e: {  	vm5 =	vmneg vm1;
	v4 =	vsel vm1, $0x1, v0;
	vm1 =	vmneg vm2;
	[tilespmem:s15+$0x20] =	vst v6  }
0x4f: {  	v6 =	vsel vm6, $0x1, v0;
	v10 =	vsel vm2, $0x1, v0;
	vm2 =	vgt.f32 v7, v1;
	[tilespmem:s15+$0x0] =	vst v4  }
0x50: {  	v9 =	vsel vm5, $0x1, v0;
	v6 =	vsub.s32 v6, v3;
	v4 =	vsel vm2, $0x1, v0;
	[tilespmem:s15+$0xFFFFFFD0] =	vst v10  }
0x51: {  	v7 =	vsel vm1, $0x1, v0;
	[tilespmem:s3+$0x20] =	vst v6;
	v6 =	vsub.s32 v9, v11;
	vm2 =	vle.f32 v5, v2  }
0x52: {  	vm1 =	vmneg vm0;
	v7 =	vsub.s32 v7, v4;
	[tilespmem:s3+$0x0] =	vst v6;
	v9 =	vsel vm2, $0x1, v0  }
0x53: {  	s5 =	simm.s32 $0x0;
	s6 =	simm.s32 $0xC0;
	s8 =	simm.s32 $0x6040;
	v6 =	vsel vm1, $0x1, v0;
	vm1 =	vgt.f32 v5, v1;
	vm5 =	vmneg vm2;
	[tilespmem:s15+$0x30] =	vst v9  }
0x54: {  	s9 =	simm.s32 $0x4040;
	s0 =	sshll.u32 s31, $0x7;
	s14 =	simm.s32 $0x80C0;
	vm2 =	vgt.f32 v8, v1;
	v5 =	vsel vm4, $0x1, v0;
	v8 =	vsel vm5, $0x1, v0;
	[tilespmem:s17+$0x0] =	vst v11  }
.LBB2_3:
0x55: {  	v9 =	vld [tilespmem:s6+$0xFFFFFFC0];
	s5 =	sadd.s32 $0x8, s5;
	[tilespmem:s3+$0xFFFFFFD0] =	vst v7;
	s15 =	sadd.s32 $0x80, s15;
	s8 =	sadd.s32 $0x80, s8  }
0x56: {  	v10 =	vsel vm3, $0x1, v0;
	v7 =	vld [tilespmem:s6+$0xFFFFFFF0];
	p1 =	slt.u32 s5, $0x1F8;
	[tilespmem:s17+$0xFFFFFFD0] =	vst v4;
	v4 =	vsel vm0, $0x1, v0  }
0x57: {  	v11 =	vld [tilespmem:s6+$0x20];
	[tilespmem:s9+$0xFFFFFFE0] =	vst v4;
	v4 =	vsub.s32 v6, v10;
	s9 =	smov.u32 s15  }
0x58: {  	v12 =	vld [tilespmem:s6+$0x10];
	[tilespmem:s3+$0xFFFFFFE0] =	vst v4;
	v4 =	vsel vm1, $0x1, v0  }
0x59: {  	v6 =	vsel vm2, $0x1, v0;
	v13 =	vld [tilespmem:s6+$0x30];
	[tilespmem:s17+$0xFFFFFFE0] =	vst v10;
	v8 =	vsub.s32 v8, v4  }
0x5a: {  	v5 =	vsub.s32 v5, v6;
	vm0 =	vle.f32 v9, v2;
	vm1 =	vgt.f32 v9, v1;
	v9 =	vld [tilespmem:s6+$0xFFFFFFE0];
	[tilespmem:s3+$0x30] =	vst v8  }
0x5b: {  	vm2 =	vmneg vm0;
	v8 =	vsel vm0, $0x1, v0;
	v10 =	vld [tilespmem:s6+$0x0];
	[tilespmem:s3+$0x10] =	vst v5;
	s3 =	smov.u32 s8  }
0x5c: {  	v5 =	vsel vm1, $0x1, v0;
	v14 =	vsel vm2, $0x1, v0;
	v15 =	vld [tilespmem:s6+$0xFFFFFFD0];
	vm1 =	vle.f32 v11, v2;
	[tilespmem:s17+$0x10] =	vst v6  }
0x5d: {  	vm0 =	vle.f32 v7, v2;
	vm2 =	vgt.f32 v7, v1;
	vm3 =	vgt.f32 v11, v1;
	[tilespmem:s17+$0x20] =	vst v3  }
0x5e: {  	vm4 =	vmneg vm0;
	v3 =	vsel vm0, $0x1, v0;
	vm0 =	vle.f32 v12, v2;
	[tilespmem:s17+$0x30] =	vst v4;
	s17 =	smov.u32 s14  }
0x5f: {  	v4 =	vsel vm2, $0x1, v0;
	[tilespmem:s15+$0xFFFFFFF0] =	vst v3;
	v3 =	vsel vm4, $0x1, v0;
	vm4 =	vmneg vm0  }
0x60: {  	[tilespmem:s15+$0xFFFFFFC0] =	vst v8;
	v6 =	vsub.s32 v3, v4;
	vm2 =	vle.f32 v10, v2;
	v3 =	vsel vm3, $0x1, v0  }
0x61: {  	v7 =	vsub.s32 v14, v5;
	vm5 =	vgt.f32 v10, v1;
	vm3 =	vle.f32 v15, v2;
	[tilespmem:s8+$0xFFFFFFF0] =	vst v6  }
0x62: {  	vm6 =	vmneg vm2;
	v6 =	vsel vm2, $0x1, v0;
	[tilespmem:s8+$0xFFFFFFC0] =	vst v7;
	v7 =	vsel vm0, $0x1, v0  }
0x63: {  	vm2 =	vmneg vm3;
	vm0 =	vle.f32 v9, v2;
	v8 =	vsel vm6, $0x1, v0;
	[tilespmem:s15+$0x10] =	vst v7  }
0x64: {  	v10 =	vsel vm5, $0x1, v0;
	[tilespmem:s14+$0xFFFFFFC0] =	vst v5;
	v5 =	vsel vm3, $0x1, v0;
	vm3 =	vmneg vm1  }
0x65: {  	vm5 =	vgt.f32 v15, v1;
	v8 =	vsub.s32 v8, v10;
	v7 =	vsel vm1, $0x1, v0;
	[tilespmem:s14+$0xFFFFFFF0] =	vst v4  }
0x66: {  	v11 =	vsel vm2, $0x1, v0;
	v4 =	vsel vm5, $0x1, v0;
	v14 =	vsel vm3, $0x1, v0;
	[tilespmem:s15+$0x20] =	vst v7  }
0x67: {  	vm1 =	vmneg vm0;
	v7 =	vsub.s32 v11, v4;
	v11 =	vsub.s32 v14, v3;
	[tilespmem:s15+$0x0] =	vst v6  }
.Ltmp2:
0x68: {  	vm3 =	vgt.f32 v9, v1;
	v6 =	vsel vm1, $0x1, v0;
	vm1 =	vgt.f32 v13, v1;
	[tilespmem:s8+$0x20] =	vst v11;
	(pc) =	sbr.rel @p1 .LBB2_3-.Ltmp2, $4  }
0x69: {  	vm2 =	vgt.f32 v12, v1;
	[tilespmem:s15+$0xFFFFFFD0] =	vst v5;
	v5 =	vsel vm4, $0x1, v0;
	vm4 =	vle.f32 v13, v2  }
0x6a: {  	[tilespmem:s8+$0x0] =	vst v8;
	vm5 =	vmneg vm4;
	v8 =	vsel vm4, $0x1, v0  }
0x6b: {  	[tilespmem:s15+$0x30] =	vst v8;
	v8 =	vsel vm5, $0x1, v0  }
0x6c: {  	s6 =	sadd.s32 $0x80, s6;
	s14 =	sadd.s32 $0x80, s14;
	[tilespmem:s17+$0x0] =	vst v10  }
0x6d: {  	[tilespmem:s3+$0xFFFFFFD0] =	vst v7  }
0x6e: {  	[tilespmem:s17+$0x20] =	vst v3  }
0x6f: {  	v58 =	vsel vm0, $0x1, v0;
	v59 =	vsel vm3, $0x1, v0;
	[tilespmem:s17+$0xFFFFFFD0] =	vst v4  }
0x70: {  	v61 =	vsel vm1, $0x1, v0;
	[tilespmem:s9+$0xFFFFFFE0] =	vst v58;
	v60 =	vsub.s32 v6, v59  }
0x71: {  	v62 =	vsel vm2, $0x1, v0;
	v63 =	vsub.s32 v8, v61;
	[tilespmem:s3+$0xFFFFFFE0] =	vst v60  }
0x72: {  	v5 =	vsub.s32 v5, v62;
	[tilespmem:s3+$0x30] =	vst v63  }
0x73: {  	[tilespmem:s3+$0x10] =	vst v5  }
0x74: {  	s14 =	sadd.s32 s7, s0;
	[tilespmem:s17+$0xFFFFFFE0] =	vst v59  }
0x75: {  	s3 =	sshll.u32 s14, $0x4;
	[tilespmem:s17+$0x10] =	vst v62  }
0x76: {  	s15 =	sadd.s32 s10, s0;
	[tilespmem:s17+$0x30] =	vst v61;
	s3 =	sadd.s32 s2, s3  }
0x77: {  	[hbm4b:s3+s4] =	stream.linear.scatter [tilespmem:s20], [sflag:$0x3], $0x2000, $0x38;
	[tilespmem:$0x10100] =	vst v63  }
0x78: {  	p1 =	sne.s32 s31, $0x7;
	s3 =	sshll.u32 s15, $0x4  }
.Ltmp3:
0x79: {  	s17 =	sadd.s32 s11, s0;
	s3 =	sadd.s32 s2, s3;
	(pc) =	sbr.rel @p1 .LBB2_6-.Ltmp3, $4  }
0x7a: {  	[hbm4b:s3+s4] =	stream.linear.scatter [tilespmem:s21], [sflag:$0x3], $0x2000, $0x38;
	[tilespmem:$0x10100] =	vst v63  }
0x7b: {  	s3 =	sshll.u32 s17, $0x4  }
0x7c: {  	s3 =	sadd.s32 s2, s3  }
0x7d: {  	[hbm4b:s3+s4] =	stream.linear.scatter [tilespmem:s22], [sflag:$0x3], $0x2000, $0x38;
	[tilespmem:$0x10100] =	vst v63  }
.Ltmp4:
0x7e: {  	(pc) =	sbr.rel .LBB2_7-.Ltmp4, $4  }
0x7f: {  	_ = 	snop  }
0x80: {  	_ =	swait.ge [sflag:s23], $0x2000  }
0x81: {  	[sflag:s23] =	ssyncset.done $0x0  }
0x82: {  	[sflag:s23] =	ssyncadd.s32 $0xFFFFE000  }
.LBB2_6:
0x83: {  	s3 =	sadd.s32 s0, s12  }
0x84: {  	s3 =	sshll.u32 s3, $0x4  }
.Ltmp5:
0x85: {  	s3 =	sadd.s32 s1, s3;
	(pc) =	sbr.rel @p0 .LBB2_8-.Ltmp5, $4  }
0x86: {  	[tilespmem:s4], [sflag:$0x1] =	stream.linear.gather [hbm4b:s3+s4], $0x2000, $0x38;
	[tilespmem:$0x10100] =	vst v63  }
0x87: {  	_ =	swait.ge [sflag:s23], $0x2000  }
0x88: {  	[sflag:s23] =	ssyncset.done $0x0  }
0x89: {  	[sflag:s23] =	ssyncadd.s32 $0xFFFFE000  }
.LBB2_7:
0x8a: {  	_ =	swait.ge [sflag:s24], $0x2000  }
0x8b: {  	[sflag:s24] =	ssyncset.done $0x0  }
0x8c: {  	[sflag:s24] =	ssyncadd.s32 $0xFFFFE000  }
0x8d: {  	_ =	swait.ge [sflag:s24], $0x2000  }
0x8e: {  	[sflag:s24] =	ssyncset.done $0x0  }
0x8f: {  	[sflag:s24] =	ssyncadd.s32 $0xFFFFE000  }
0x90: {  	_ =	swait.ge [sflag:s24], $0x2000  }
0x91: {  	[sflag:s24] =	ssyncset.done $0x0  }
0x92: {  	[sflag:s24] =	ssyncadd.s32 $0xFFFFE000  }
.LBB2_8:
0x93: {  	s5 =	simm.s32 $0x2040  }
0x94: {  	v3 =	vld [tilespmem:s5+$0xFFFFFFC0]  }
0x95: {  	v4 =	vld [tilespmem:s5+$0xFFFFFFF0];
	_ =	sdelay $0x2  }
0x96: {  	v5 =	vld [tilespmem:s5+$0x20]  }
0x97: {  	v8 =	vld [tilespmem:s5+$0x10];
	vm0 =	vle.f32 v3, v2  }
0x98: {  	v6 =	vld [tilespmem:s5+$0x0];
	vm1 =	vgt.f32 v3, v1;
	vm3 =	vle.f32 v4, v2;
	vm4 =	vgt.f32 v4, v1  }
0x99: {  	s15 =	simm.s32 $0xA040;
	vm2 =	vmneg vm0;
	vm5 =	vmneg vm3;
	v3 =	vsel vm3, $0x1, v0  }
0x9a: {  	v12 =	vld [tilespmem:s5+$0xFFFFFFE0];
	v4 =	vsel vm0, $0x1, v0;
	v9 =	vsel vm4, $0x1, v0;
	[tilespmem:s15+$0xFFFFFFF0] =	vst v3;
	v3 =	vsel vm5, $0x1, v0  }
0x9b: {  	s3 =	simm.s32 $0xC040;
	v7 =	vld [tilespmem:s5+$0xFFFFFFD0];
	v10 =	vsel vm1, $0x1, v0;
	v11 =	vsel vm2, $0x1, v0;
	[tilespmem:s15+$0xFFFFFFC0] =	vst v4;
	v3 =	vsub.s32 v3, v9  }
0x9c: {  	vm0 =	vle.f32 v5, v2;
	vm1 =	vle.f32 v8, v2;
	v4 =	vsub.s32 v11, v10;
	[tilespmem:s3+$0xFFFFFFF0] =	vst v3  }
0x9d: {  	vm3 =	vgt.f32 v6, v1;
	vm2 =	vgt.f32 v5, v1;
	[tilespmem:s3+$0xFFFFFFC0] =	vst v4;
	v4 =	vsel vm1, $0x1, v0  }
0x9e: {  	s17 =	simm.s32 $0xE040;
	vm4 =	vmneg vm1;
	vm6 =	vmneg vm0;
	v11 =	vsel vm3, $0x1, v0;
	[tilespmem:s15+$0x10] =	vst v4  }
0x9f: {  	v5 =	vld [tilespmem:s5+$0x30];
	vm3 =	vgt.f32 v12, v1;
	vm1 =	vle.f32 v6, v2;
	v3 =	vsel vm2, $0x1, v0;
	[tilespmem:s17+$0xFFFFFFC0] =	vst v10  }
0xa0: {  	vm2 =	vle.f32 v7, v2;
	v6 =	vsel vm0, $0x1, v0;
	vm0 =	vle.f32 v12, v2;
	[tilespmem:s17+$0xFFFFFFF0] =	vst v9  }
0xa1: {  	vm5 =	vmneg vm1;
	v4 =	vsel vm1, $0x1, v0;
	vm1 =	vmneg vm2;
	[tilespmem:s15+$0x20] =	vst v6  }
0xa2: {  	v6 =	vsel vm6, $0x1, v0;
	v10 =	vsel vm2, $0x1, v0;
	vm2 =	vgt.f32 v7, v1;
	[tilespmem:s15+$0x0] =	vst v4  }
0xa3: {  	v9 =	vsel vm5, $0x1, v0;
	v6 =	vsub.s32 v6, v3;
	v4 =	vsel vm2, $0x1, v0;
	[tilespmem:s15+$0xFFFFFFD0] =	vst v10  }
0xa4: {  	v7 =	vsel vm1, $0x1, v0;
	[tilespmem:s3+$0x20] =	vst v6;
	v6 =	vsub.s32 v9, v11;
	vm2 =	vle.f32 v5, v2  }
0xa5: {  	vm1 =	vmneg vm0;
	v7 =	vsub.s32 v7, v4;
	[tilespmem:s3+$0x0] =	vst v6;
	v9 =	vsel vm2, $0x1, v0  }
0xa6: {  	s6 =	simm.s32 $0x20C0;
	s14 =	simm.s32 $0xE0C0;
	v6 =	vsel vm1, $0x1, v0;
	vm1 =	vgt.f32 v5, v1;
	vm5 =	vmneg vm2;
	[tilespmem:s15+$0x30] =	vst v9  }
0xa7: {  	s8 =	simm.s32 $0xC040;
	s9 =	simm.s32 $0xA040;
	s5 =	simm.s32 $0x0;
	vm2 =	vgt.f32 v8, v1;
	v5 =	vsel vm4, $0x1, v0;
	v8 =	vsel vm5, $0x1, v0;
	[tilespmem:s17+$0x0] =	vst v11  }
.LBB2_9:
0xa8: {  	v9 =	vld [tilespmem:s6+$0xFFFFFFC0];
	s5 =	sadd.s32 $0x8, s5;
	[tilespmem:s3+$0xFFFFFFD0] =	vst v7;
	s15 =	sadd.s32 $0x80, s15;
	s8 =	sadd.s32 $0x80, s8  }
0xa9: {  	v10 =	vsel vm3, $0x1, v0;
	v7 =	vld [tilespmem:s6+$0xFFFFFFF0];
	p0 =	slt.u32 s5, $0x1F8;
	[tilespmem:s17+$0xFFFFFFD0] =	vst v4;
	v4 =	vsel vm0, $0x1, v0  }
0xaa: {  	v11 =	vld [tilespmem:s6+$0x20];
	[tilespmem:s9+$0xFFFFFFE0] =	vst v4;
	v4 =	vsub.s32 v6, v10;
	s9 =	smov.u32 s15  }
0xab: {  	v12 =	vld [tilespmem:s6+$0x10];
	[tilespmem:s3+$0xFFFFFFE0] =	vst v4;
	v4 =	vsel vm1, $0x1, v0  }
0xac: {  	v6 =	vsel vm2, $0x1, v0;
	v13 =	vld [tilespmem:s6+$0x30];
	[tilespmem:s17+$0xFFFFFFE0] =	vst v10;
	v8 =	vsub.s32 v8, v4  }
0xad: {  	v5 =	vsub.s32 v5, v6;
	vm0 =	vle.f32 v9, v2;
	vm1 =	vgt.f32 v9, v1;
	v9 =	vld [tilespmem:s6+$0xFFFFFFE0];
	[tilespmem:s3+$0x30] =	vst v8  }
0xae: {  	vm2 =	vmneg vm0;
	v8 =	vsel vm0, $0x1, v0;
	v10 =	vld [tilespmem:s6+$0x0];
	[tilespmem:s3+$0x10] =	vst v5;
	s3 =	smov.u32 s8  }
0xaf: {  	v5 =	vsel vm1, $0x1, v0;
	v14 =	vsel vm2, $0x1, v0;
	v15 =	vld [tilespmem:s6+$0xFFFFFFD0];
	vm1 =	vle.f32 v11, v2;
	[tilespmem:s17+$0x10] =	vst v6  }
0xb0: {  	vm0 =	vle.f32 v7, v2;
	vm2 =	vgt.f32 v7, v1;
	vm3 =	vgt.f32 v11, v1;
	[tilespmem:s17+$0x20] =	vst v3  }
0xb1: {  	vm4 =	vmneg vm0;
	v3 =	vsel vm0, $0x1, v0;
	vm0 =	vle.f32 v12, v2;
	[tilespmem:s17+$0x30] =	vst v4;
	s17 =	smov.u32 s14  }
0xb2: {  	v4 =	vsel vm2, $0x1, v0;
	[tilespmem:s15+$0xFFFFFFF0] =	vst v3;
	v3 =	vsel vm4, $0x1, v0;
	vm4 =	vmneg vm0  }
0xb3: {  	[tilespmem:s15+$0xFFFFFFC0] =	vst v8;
	v6 =	vsub.s32 v3, v4;
	vm2 =	vle.f32 v10, v2;
	v3 =	vsel vm3, $0x1, v0  }
0xb4: {  	v7 =	vsub.s32 v14, v5;
	vm5 =	vgt.f32 v10, v1;
	vm3 =	vle.f32 v15, v2;
	[tilespmem:s8+$0xFFFFFFF0] =	vst v6  }
0xb5: {  	vm6 =	vmneg vm2;
	v6 =	vsel vm2, $0x1, v0;
	[tilespmem:s8+$0xFFFFFFC0] =	vst v7;
	v7 =	vsel vm0, $0x1, v0  }
0xb6: {  	vm2 =	vmneg vm3;
	vm0 =	vle.f32 v9, v2;
	v8 =	vsel vm6, $0x1, v0;
	[tilespmem:s15+$0x10] =	vst v7  }
0xb7: {  	v10 =	vsel vm5, $0x1, v0;
	[tilespmem:s14+$0xFFFFFFC0] =	vst v5;
	v5 =	vsel vm3, $0x1, v0;
	vm3 =	vmneg vm1  }
0xb8: {  	vm5 =	vgt.f32 v15, v1;
	v8 =	vsub.s32 v8, v10;
	v7 =	vsel vm1, $0x1, v0;
	[tilespmem:s14+$0xFFFFFFF0] =	vst v4  }
0xb9: {  	v11 =	vsel vm2, $0x1, v0;
	v4 =	vsel vm5, $0x1, v0;
	v14 =	vsel vm3, $0x1, v0;
	[tilespmem:s15+$0x20] =	vst v7  }
0xba: {  	vm1 =	vmneg vm0;
	v7 =	vsub.s32 v11, v4;
	v11 =	vsub.s32 v14, v3;
	[tilespmem:s15+$0x0] =	vst v6  }
.Ltmp6:
0xbb: {  	vm3 =	vgt.f32 v9, v1;
	v6 =	vsel vm1, $0x1, v0;
	vm1 =	vgt.f32 v13, v1;
	[tilespmem:s8+$0x20] =	vst v11;
	(pc) =	sbr.rel @p0 .LBB2_9-.Ltmp6, $4  }
0xbc: {  	vm2 =	vgt.f32 v12, v1;
	[tilespmem:s15+$0xFFFFFFD0] =	vst v5;
	v5 =	vsel vm4, $0x1, v0;
	vm4 =	vle.f32 v13, v2  }
0xbd: {  	[tilespmem:s8+$0x0] =	vst v8;
	vm5 =	vmneg vm4;
	v8 =	vsel vm4, $0x1, v0  }
0xbe: {  	[tilespmem:s15+$0x30] =	vst v8;
	v8 =	vsel vm5, $0x1, v0  }
0xbf: {  	s6 =	sadd.s32 $0x80, s6;
	s14 =	sadd.s32 $0x80, s14;
	[tilespmem:s17+$0x0] =	vst v10  }
0xc0: {  	[tilespmem:s3+$0xFFFFFFD0] =	vst v7  }
0xc1: {  	[tilespmem:s17+$0x20] =	vst v3  }
0xc2: {  	v58 =	vsel vm0, $0x1, v0;
	v59 =	vsel vm3, $0x1, v0;
	[tilespmem:s17+$0xFFFFFFD0] =	vst v4  }
0xc3: {  	v61 =	vsel vm1, $0x1, v0;
	[tilespmem:s9+$0xFFFFFFE0] =	vst v58;
	v60 =	vsub.s32 v6, v59  }
0xc4: {  	v62 =	vsel vm2, $0x1, v0;
	v63 =	vsub.s32 v8, v61;
	[tilespmem:s3+$0xFFFFFFE0] =	vst v60  }
0xc5: {  	v5 =	vsub.s32 v5, v62;
	[tilespmem:s3+$0x30] =	vst v63  }
0xc6: {  	s15 =	sor.u32 $0x40, s0;
	[tilespmem:s3+$0x10] =	vst v5  }
0xc7: {  	s5 =	sadd.s32 s7, s15;
	[tilespmem:s17+$0xFFFFFFE0] =	vst v59  }
0xc8: {  	s5 =	sshll.u32 s5, $0x4;
	[tilespmem:s17+$0x10] =	vst v62  }
0xc9: {  	p0 =	seq.s32 s31, $0x7;
	[tilespmem:s17+$0x30] =	vst v61;
	s5 =	sadd.s32 s2, s5;
	s17 =	sadd.s32 s10, s15  }
0xca: {  	[hbm4b:s5+s4] =	stream.linear.scatter [tilespmem:s25], [sflag:$0x4], $0x2000, $0x38;
	[tilespmem:$0x10100] =	vst v63  }
.Ltmp7:
0xcb: {  	s3 =	sadd.s32 s11, s15;
	s5 =	sshll.u32 s17, $0x4;
	(pc) =	sbr.rel @p0 .LBB2_12-.Ltmp7, $4  }
0xcc: {  	s3 =	sshll.u32 s3, $0x4;
	s5 =	sadd.s32 s2, s5  }
0xcd: {  	[hbm4b:s5+s4] =	stream.linear.scatter [tilespmem:s26], [sflag:$0x4], $0x2000, $0x38;
	[tilespmem:$0x10100] =	vst v63  }
0xce: {  	s3 =	sadd.s32 s2, s3  }
0xcf: {  	[hbm4b:s3+s4] =	stream.linear.scatter [tilespmem:s28], [sflag:$0x4], $0x2000, $0x38;
	[tilespmem:$0x10100] =	vst v63  }
.Ltmp8:
0xd0: {  	(pc) =	sbr.rel .LBB2_2-.Ltmp8, $4  }
0xd1: {  	s0 =	sadd.s32 s0, s13  }
0xd2: {  	s0 =	sshll.u32 s0, $0x4  }
0xd3: {  	s31 =	sadd.s32 $0x1, s31;
	s0 =	sadd.s32 s1, s0  }
0xd4: {  	[tilespmem:s18], [sflag:$0x2] =	stream.linear.gather [hbm4b:s0+s4], $0x2000, $0x38;
	[tilespmem:$0x10100] =	vst v63  }
.LBB2_13:
0xd5: {  	_ =	sfence.sel $0x180000  }
0xd6: {  	[bflag:$0x0] =	sbarrier.arrive $0xFFFF  }
0xd7: {  	_ =	strace $0x90000047  }
0xd8: {  	s0 =	stileid.u32;
	[bflag:$0x2] =	sbarrier.arrive $0xFFFF  }
0xd9: {  	p0 =	sne.s32 s0, $0x0;
	s0 =	rddreg [dreg:$0x3]  }
0xda: {  	s0 =	sadd.s32 @!p0 $0x100000, s0  }
0xdb: {  	[sflag:s0] =	ssyncadd.tile.s32 @!p0 $0x1;
	_ =	shalt  }
.Lfunc_end2:
_tile_overlayer_lowered:
.L_overlay_start_2:
0xdc: {  	(tag) =	ssettag $0x2  }
0xdd: {  	s0 =	rddreg [dreg:$0x0];
	s2 =	stileid.u32  }
0xde: {  	s1 =	rddreg [dreg:$0x1];
	p0 =	sne.s32 s2, $0x0  }
0xdf: {  	s3 =	rddreg [dreg:$0x2];
	[bflag:$0x3] =	sbarrier.arrive $0xFFFF;
	s2 =	simm.s32 @!p0 $0x1C05  }
0xe0: {  	[timem:s3], [sflag:s2] =	dma.local @!p0 [hbm:s0], s1  }
0xe1: {  	s0 =	simm.s32 @!p0 $0x5  }
0xe2: {  	_ =	swait.ge @!p0 [sflag:s0], s1  }
0xe3: {  	s1 =	ssub.s32 @!p0 $0x0, s1;
	[sflag:s0] =	ssyncset.done @!p0 $0x0  }
0xe4: {  	[sflag:s0] =	ssyncadd.s32 @!p0 s1  }
0xe5: {  	[bflag:$0x3] =	sbarrier.arrive $0xFFFF  }
0xe6: {  	_ =	shalt  }

</sc_bundles>
